<compile_context>
chip_gen: v7x
topology: tpu7x:2x2x1
jax: 0.10.2.dev20260603
libtpu: 0.0.44.dev20260713+nightly
codegen_flags: <defaults>
</compile_context>

<pallas_src>
import jax
import jax.numpy as jnp
from jax import lax
from jax.experimental import pallas as pl
from jax.experimental.pallas import tpu as pltpu
from jax.experimental.pallas import tpu_sc as plsc

_N = 100000
_DIN = 128
_DOUT = 32
_B = 10000
_DEG = 16
_ALPHA = 0.2

_NC, _NS = 2, 16
_NW = _NC * _NS
_LANES = 128

_BPAD = 10240

_SELF_IR = 5
_SELF_PW = _SELF_IR * _LANES
_SELF_PAD = 2 * _BPAD
_NB_IR = 40
_NB_PW = _NB_IR * _LANES
_NB_PAD = _NW * _NB_PW
_CH_IR = 10
_CHUNK = _CH_IR * _LANES


def _leaky(x):
    return jnp.where(x >= 0, x, _ALPHA * x)



_PROJ_ROWS = 2000


def _proj_body(f_ref, wb_ref, wu_ref, h_ref):
    f = f_ref[...]
    hb = jnp.dot(f, wb_ref[...], preferred_element_type=jnp.float32)
    hu = jnp.dot(f, wu_ref[...], preferred_element_type=jnp.float32)
    z = jnp.zeros((_PROJ_ROWS, _DIN - 2 * _DOUT), jnp.float32)
    h_ref[...] = jnp.concatenate([hb, hu, z], axis=1)


def _project(feat, wb, wu):
    return pl.pallas_call(
        _proj_body,
        grid=(_N // _PROJ_ROWS,),
        in_specs=[
            pl.BlockSpec((_PROJ_ROWS, _DIN), lambda i: (i, 0)),
            pl.BlockSpec((_DIN, _DOUT), lambda i: (0, 0)),
            pl.BlockSpec((_DIN, _DOUT), lambda i: (0, 0)),
        ],
        out_specs=pl.BlockSpec((_PROJ_ROWS, _DIN), lambda i: (i, 0)),
        out_shape=jax.ShapeDtypeStruct((_N, _DIN), jnp.float32),
    )(feat, wb, wu)




def _tr_body(p_ref, n_ref, pt_ref, nt_ref):
    rows = lax.broadcasted_iota(jnp.int32, (_BPAD, _DEG), 0)
    p = jnp.where(rows < _B, p_ref[...], 0)
    n = jnp.where(rows < _B, n_ref[...], 0)
    pt_ref[...] = jnp.transpose(p) * 4
    nt_ref[...] = jnp.transpose(n) * 4 + 1


def _transpose_idx(ipos, ineg):
    return pl.pallas_call(
        _tr_body,
        in_specs=[pl.BlockSpec((_BPAD, _DEG), lambda i: (0, 0))] * 2,
        out_specs=[pl.BlockSpec((_DEG, _BPAD), lambda i: (0, 0))] * 2,
        out_shape=[jax.ShapeDtypeStruct((_DEG, _BPAD), jnp.int32)] * 2,
        grid=(1,),
    )(ipos, ineg)




def _fire(tbl, idx, i_off, rows, sem, n_ops=_CH_IR):
    return [
        pltpu.async_copy(tbl.at[idx.at[pl.ds(i_off + j * _LANES, _LANES)]],
                         rows.at[pl.ds(j * _LANES, _LANES)], sem)
        for j in range(n_ops)
    ]


def _gather_body(tbl, isel, ipos, ineg,
                 ss, nbp, nbn,
                 idx_s, idx_n, rows_a, rows_b, sem_a, sem_b):
    wid = lax.axis_index("c") * _NS + lax.axis_index("s")
    s_base = pl.multiple_of(wid * _SELF_PW, _SELF_PW)
    n_base = pl.multiple_of(wid * _NB_PW, _NB_PW)
    j_col = wid // _NC
    r_base = pl.multiple_of((wid % _NC) * _NB_PW, _NB_PW)

    pltpu.sync_copy(isel.at[pl.ds(s_base, _SELF_PW)], idx_s)
    ds = _fire(tbl, idx_s, 0, rows_a, sem_a, _SELF_IR)
    for d in ds:
        d.wait()
    pltpu.sync_copy(rows_a.at[pl.ds(0, _SELF_PW)],
                    ss.at[pl.ds(s_base, _SELF_PW)])

    for itab, out in ((ipos, nbp), (ineg, nbn)):
        pltpu.sync_copy(itab.at[j_col, pl.ds(r_base, _NB_PW)], idx_n)

        def pair(p, carry):
            off_a = pl.multiple_of(p * (2 * _CHUNK), 2 * _CHUNK)
            off_b = off_a + _CHUNK
            da = _fire(tbl, idx_n, off_a, rows_a, sem_a)
            db = _fire(tbl, idx_n, off_b, rows_b, sem_b)
            for d in da:
                d.wait()
            pltpu.sync_copy(rows_a, out.at[pl.ds(n_base + off_a, _CHUNK)])
            for d in db:
                d.wait()
            pltpu.sync_copy(rows_b, out.at[pl.ds(n_base + off_b, _CHUNK)])
            return carry

        lax.fori_loop(0, _NB_PW // (2 * _CHUNK), pair, 0)


def _gather(tbl, isel, ipos, ineg):
    mesh = plsc.VectorSubcoreMesh(core_axis_name="c", subcore_axis_name="s")
    f = pl.kernel(
        _gather_body,
        mesh=mesh,
        out_type=[
            jax.ShapeDtypeStruct((_SELF_PAD, _DOUT), jnp.float32),
            jax.ShapeDtypeStruct((_NB_PAD, _DOUT), jnp.float32),
            jax.ShapeDtypeStruct((_NB_PAD, _DOUT), jnp.float32),
        ],
        scratch_types=[
            pltpu.VMEM((_SELF_PW,), jnp.int32),
            pltpu.VMEM((_NB_PW,), jnp.int32),
            pltpu.VMEM((_CHUNK, _DOUT), jnp.float32),
            pltpu.VMEM((_CHUNK, _DOUT), jnp.float32),
            pltpu.SemaphoreType.DMA,
            pltpu.SemaphoreType.DMA,
        ],
        compiler_params=pltpu.CompilerParams(use_tc_tiling_on_sc=False,
                                             needs_layout_passes=False),
    )
    return f(tbl, isel, ipos, ineg)



_SEG = _LANES // _DOUT
_TB = _BPAD // _SEG
_TBV = _B // _SEG


def _attn_body(hss, npos, nneg, a1b, a2b, a1u, a2u,
               xb, xu, rtb, rtu, dnb, dnu):
    j = pl.program_id(0)
    seg = (lax.broadcasted_iota(jnp.int32, (_SEG, _LANES), 1) // _DOUT
           == lax.broadcasted_iota(jnp.int32, (_SEG, _LANES), 0))
    expand = seg.astype(jnp.float32)

    @pl.when(j == 0)
    def _init():
        for head, (a1, a2, rt, dn, x) in enumerate(
                ((a1b, a2b, rtb, dnb, xb), (a1u, a2u, rtu, dnu, xu))):
            h = hss[head][...]
            r = jnp.dot(h, a1[...], preferred_element_type=jnp.float32)
            e = jnp.exp(-_leaky(
                r + jnp.dot(h, a2[...], preferred_element_type=jnp.float32)))
            rt[...] = r
            dn[...] = e
            x[...] = (jnp.dot(e, expand,
                              preferred_element_type=jnp.float32) * h)[:_TBV]

    for nb, a2, rt, dn, x in ((npos, a2b, rtb, dnb, xb),
                              (nneg, a2u, rtu, dnu, xu)):
        h = nb[...]
        e = jnp.exp(-_leaky(
            rt[...] + jnp.dot(h, a2[...],
                              preferred_element_type=jnp.float32)))
        dn[...] += e
        x[...] += (jnp.dot(e, expand,
                           preferred_element_type=jnp.float32) * h)[:_TBV]

    @pl.when(j == _DEG - 1)
    def _final():
        for x, dn in ((xb, dnb), (xu, dnu)):
            d = jnp.dot(dn[...] + 1e-16, expand,
                        preferred_element_type=jnp.float32)
            v = x[...] / d[:_TBV]
            x[...] = jnp.where(v > 0, v, jnp.exp(v) - 1.0)


def _attention(hss2, npos, nneg, a1b, a2b, a1u, a2u):
    def hs_spec(head):
        return pl.BlockSpec((_TB, _LANES), lambda j, h=head: (h, 0))

    body = (lambda hs0, hs1, *rest:
            _attn_body((hs0, hs1), *rest))
    return pl.pallas_call(
        body,
        grid=(_DEG,),
        in_specs=[
            hs_spec(0),
            hs_spec(1),
            pl.BlockSpec((_TB, _LANES), lambda j: (j, 0)),
            pl.BlockSpec((_TB, _LANES), lambda j: (j, 0)),
            pl.BlockSpec((_DIN, _SEG), lambda j: (0, 0)),
            pl.BlockSpec((_DIN, _SEG), lambda j: (0, 0)),
            pl.BlockSpec((_DIN, _SEG), lambda j: (0, 0)),
            pl.BlockSpec((_DIN, _SEG), lambda j: (0, 0)),
        ],
        out_specs=[
            pl.BlockSpec((_TBV, _LANES), lambda j: (0, 0)),
            pl.BlockSpec((_TBV, _LANES), lambda j: (0, 0)),
        ],
        out_shape=[
            jax.ShapeDtypeStruct((_TBV, _LANES), jnp.float32),
            jax.ShapeDtypeStruct((_TBV, _LANES), jnp.float32),
        ],
        scratch_shapes=[pltpu.VMEM((_TB, _SEG), jnp.float32),
                        pltpu.VMEM((_TB, _SEG), jnp.float32),
                        pltpu.VMEM((_TB, _SEG), jnp.float32),
                        pltpu.VMEM((_TB, _SEG), jnp.float32)],
    )(hss2, hss2, npos, nneg, a1b, a2b, a1u, a2u)


def kernel(nodes, neigh_pos, neigh_neg, feat_table,
           W_bal, a_bal, W_unbal, a_unbal):
    hcat = _project(feat_table, W_bal, W_unbal)
    tbl = hcat.reshape(4 * _N, _DOUT)

    zs = jnp.zeros(_BPAD - _B, jnp.int32)
    isb = jnp.concatenate([nodes * 4, zs])
    isel = jnp.concatenate([isb, isb + 1])
    ipt, int_ = _transpose_idx(neigh_pos, neigh_neg)

    ss, nbp, nbn = _gather(tbl, isel, ipt, int_)

    hss2 = ss.reshape(-1, _LANES)
    np2 = nbp.reshape(-1, _LANES)
    nn2 = nbn.reshape(-1, _LANES)

    eye = jnp.eye(_SEG, dtype=jnp.float32)
    a1b = jnp.kron(eye, a_bal[0, :_DOUT][:, None])
    a2b = jnp.kron(eye, a_bal[0, _DOUT:][:, None])
    a1u = jnp.kron(eye, a_unbal[0, :_DOUT][:, None])
    a2u = jnp.kron(eye, a_unbal[0, _DOUT:][:, None])

    xb2, xu2 = _attention(hss2, np2, nn2, a1b, a2b, a1u, a2u)
    return (xb2.reshape(_B, _DOUT), xu2.reshape(_B, _DOUT))

# --- scband reference (transcript-rebuilt; emitter-appended) ---
"""Pipeline reference for scband-first-layer-aggregator-53429393162862 (READ-ONLY COPY).

The authoritative reference and input builder live on the scoring server;
editing this copy changes nothing except your own understanding.
"""

import jax, jax.numpy as jnp
import numpy as np

N_NODES = 100000
D_IN = 128
D_OUT = 32
B = 10000
DEG = 16
ALPHA = 0.2

def _leaky_relu(x):
    return jnp.where(x >= 0, x, ALPHA * x)

def _elu(x):
    return jnp.where(x > 0, x, jnp.expm1(x))

def _sp_gat_head(feat, nodes, neigh, W, a):
    # SpGraphAttentionLayer (SiGAT-style sparse GAT) over bipartite edges
    # rows = B target nodes (with a self edge), cols = neighbor node ids.
    d_out = W.shape[1]
    h_self = feat[nodes] @ W                                  # [B, d_out] gather + matmul
    h_nb = feat[neigh.reshape(-1)] @ W                        # [B*DEG, d_out]
    h_nb = h_nb.reshape(neigh.shape[0], neigh.shape[1], d_out)
    a1 = a[0, :d_out]
    a2 = a[0, d_out:]
    row_term = h_self @ a1                                    # [B]
    # edge_e = exp(-leakyrelu(a^T [Wh_row || Wh_col])) as in sparse GAT
    e_self = jnp.exp(-_leaky_relu(row_term + h_self @ a2))    # [B] self edge
    e_nb = jnp.exp(-_leaky_relu(row_term[:, None] + h_nb @ a2))  # [B, DEG]
    denom = e_self + e_nb.sum(axis=1) + 1e-16                 # sparse row-sum
    num = e_self[:, None] * h_self + jnp.einsum('bd,bdo->bo', e_nb, h_nb)
    return _elu(num / denom[:, None])

def setup_inputs(seed: int = 0):
    key = jax.random.key(seed)
    ks = jax.random.split(key, 8)
    return {
        'nodes': jax.random.randint(ks[0], (B,), 0, N_NODES, dtype=jnp.int32),
        'neigh_pos': jax.random.randint(ks[1], (B, DEG), 0, N_NODES, dtype=jnp.int32),
        'neigh_neg': jax.random.randint(ks[2], (B, DEG), 0, N_NODES, dtype=jnp.int32),
        'feat_table': jax.random.normal(ks[3], (N_NODES, D_IN), dtype=jnp.float32),
        'W_bal': jax.random.normal(ks[4], (D_IN, D_OUT), dtype=jnp.float32) * (1.414 / np.sqrt(D_IN)),
        'a_bal': jax.random.normal(ks[5], (1, 2 * D_OUT), dtype=jnp.float32) * 0.1,
        'W_unbal': jax.random.normal(ks[6], (D_IN, D_OUT), dtype=jnp.float32) * (1.414 / np.sqrt(D_IN)),
        'a_unbal': jax.random.normal(ks[7], (1, 2 * D_OUT), dtype=jnp.float32) * 0.1,
    }

def reference(nodes, neigh_pos, neigh_neg, feat_table, W_bal, a_bal, W_unbal, a_unbal):
    x_bal = _sp_gat_head(feat_table, nodes, neigh_pos, W_bal, a_bal)
    x_unbal = _sp_gat_head(feat_table, nodes, neigh_neg, W_unbal, a_unbal)
    return (x_bal, x_unbal)

if __name__ == "__main__":
    import jax
    _d = setup_inputs()
    print(jax.jit(kernel)(*tuple(_d.values())))

</pallas_src>

<mosaic_0001>
#map = affine_map<(d0, d1) -> (0, 0)>
#map1 = affine_map<(d0, d1) -> (0)>
module attributes {stable_mosaic.version = 14 : i64} {
  func.func @_gather_body(%arg0: i32, %arg1: i32, %arg2: memref<400000x32xf32, #tpu.memory_space<hbm>>, %arg3: memref<20480xi32, #tpu.memory_space<hbm>>, %arg4: memref<16x10240xi32, #tpu.memory_space<hbm>>, %arg5: memref<16x10240xi32, #tpu.memory_space<hbm>>, %arg6: memref<20480x32xf32, #tpu.memory_space<hbm>>, %arg7: memref<163840x32xf32, #tpu.memory_space<hbm>>, %arg8: memref<163840x32xf32, #tpu.memory_space<hbm>>, %arg9: memref<640xi32, #tpu.memory_space<vmem>>, %arg10: memref<5120xi32, #tpu.memory_space<vmem>>, %arg11: memref<1280x32xf32, #tpu.memory_space<vmem>>, %arg12: memref<1280x32xf32, #tpu.memory_space<vmem>>, %arg13: memref<!tpu.dma_semaphore, #tpu.memory_space<semaphore_mem>>, %arg14: memref<!tpu.dma_semaphore, #tpu.memory_space<semaphore_mem>>) attributes {dimension_semantics = [#tpu.dimension_semantics<core_parallel>, #tpu.dimension_semantics<subcore_parallel>], iteration_bounds = array<i64: 2, 16>, scalar_prefetch = 0 : i64, scratch_operands = 6 : i64, tpu.core_type = #tpu.core_type<sc_vector_subcore>, window_params = [{transform_indices = #map}, {transform_indices = #map1}, {transform_indices = #map}, {transform_indices = #map}, {transform_indices = #map}, {transform_indices = #map}, {transform_indices = #map}]} {
    %mul3A = arith.constant 16 : i32
    %mul3A_0 = arith.muli %arg0, %mul3A : i32
    %add3A = arith.addi %mul3A_0, %arg1 : i32
    %mul3A_1 = arith.constant 640 : i32
    %mul3A_2 = arith.muli %add3A, %mul3A_1 : i32
    %multiple_of3A = tpu.assume_multiple %mul3A_2, 640 : i32
    %mul3A_3 = arith.constant 5120 : i32
    %mul3A_4 = arith.muli %add3A, %mul3A_3 : i32
    %multiple_of3A_5 = tpu.assume_multiple %mul3A_4, 5120 : i32
    %jit3A = arith.constant 2 : i32
    %div3A = arith.divsi %add3A, %jit3A : i32
    %sign3A = arith.constant 0 : i32
    %sign3A_6 = arith.cmpi sgt, %add3A, %sign3A : i32
    %sign3A_7 = arith.extui %sign3A_6 : i1 to i32
    %sign3A_8 = arith.constant 0 : i32
    %sign3A_9 = arith.cmpi slt, %add3A, %sign3A_8 : i32
    %sign3A_10 = arith.extui %sign3A_9 : i1 to i32
    %sign3A_11 = arith.subi %sign3A_7, %sign3A_10 : i32
    %sign3A_12 = arith.constant 0 : i32
    %sign3A_13 = arith.cmpi sgt, %jit3A, %sign3A_12 : i32
    %sign3A_14 = arith.extui %sign3A_13 : i1 to i32
    %sign3A_15 = arith.constant 0 : i32
    %sign3A_16 = arith.cmpi slt, %jit3A, %sign3A_15 : i32
    %sign3A_17 = arith.extui %sign3A_16 : i1 to i32
    %sign3A_18 = arith.subi %sign3A_14, %sign3A_17 : i32
    %ne3A = arith.cmpi ne, %sign3A_11, %sign3A_18 : i32
    %rem3A = arith.remsi %add3A, %jit3A : i32
    %ne3A_19 = arith.constant 0 : i32
    %ne3A_20 = arith.cmpi ne, %rem3A, %ne3A_19 : i32
    %and3A = arith.andi %ne3A, %ne3A_20 : i1
    %sub3A = arith.constant 1 : i32
    %sub3A_21 = arith.subi %div3A, %sub3A : i32
    %select_n3A = arith.select %and3A, %sub3A_21, %div3A : i32
    %jit3A_22 = arith.constant 2 : i32
    %eq3A = arith.constant 0 : i32
    %eq3A_23 = arith.cmpi eq, %jit3A_22, %eq3A : i32
    %jit3A_24 = arith.constant 1 : i32
    %select_n3A_25 = arith.select %eq3A_23, %jit3A_24, %jit3A_22 : i32
    %rem3A_26 = arith.remsi %add3A, %select_n3A_25 : i32
    %ne3A_27 = arith.constant 0 : i32
    %ne3A_28 = arith.cmpi ne, %rem3A_26, %ne3A_27 : i32
    %lt3A = arith.constant 0 : i32
    %lt3A_29 = arith.cmpi slt, %rem3A_26, %lt3A : i32
    %lt3A_30 = arith.constant 0 : i32
    %lt3A_31 = arith.cmpi slt, %select_n3A_25, %lt3A_30 : i32
    %ne3A_32 = arith.xori %lt3A_29, %lt3A_31 : i1
    %and3A_33 = arith.andi %ne3A_32, %ne3A_28 : i1
    %add3A_34 = arith.addi %rem3A_26, %select_n3A_25 : i32
    %select_n3A_35 = arith.select %and3A_33, %add3A_34, %rem3A_26 : i32
    %mul3A_36 = arith.constant 5120 : i32
    %mul3A_37 = arith.muli %select_n3A_35, %mul3A_36 : i32
    %multiple_of3A_38 = tpu.assume_multiple %mul3A_37, 5120 : i32
    "tpu.region"() ({
      %run_scoped3A = tpu.sem_alloc : memref<!tpu.dma_semaphore, #tpu.memory_space<semaphore_mem>>
      %dma_start3A_128 = tpu.memref_slice %arg3[%multiple_of3A] : memref<20480xi32, #tpu.memory_space<hbm>> -> memref<640xi32, #tpu.memory_space<hbm>>
      %dma_start3A_129 = tpu.memref_slice %arg3[%multiple_of3A] : memref<20480xi32, #tpu.memory_space<hbm>> -> memref<640xi32, #tpu.memory_space<hbm>>
      tpu.enqueue_dma source(%dma_start3A_129 : memref<640xi32, #tpu.memory_space<hbm>>) target(%arg9 : memref<640xi32, #tpu.memory_space<vmem>>) target_semaphore(%run_scoped3A : memref<!tpu.dma_semaphore, #tpu.memory_space<semaphore_mem>>)
      %dma_wait3A_130 = tpu.memref_slice %arg3[%multiple_of3A] : memref<20480xi32, #tpu.memory_space<hbm>> -> memref<640xi32, #tpu.memory_space<hbm>>
      %dma_wait3A_131 = tpu.memref_slice %arg3[%multiple_of3A] : memref<20480xi32, #tpu.memory_space<hbm>> -> memref<640xi32, #tpu.memory_space<hbm>>
      tpu.wait_dma2 semaphore(%run_scoped3A : memref<!tpu.dma_semaphore, #tpu.memory_space<semaphore_mem>>) src(%dma_wait3A_131 : memref<640xi32, #tpu.memory_space<hbm>>) dst(%arg9 : memref<640xi32, #tpu.memory_space<vmem>>)
      tpu.yield
    }) : () -> ()
    %dma_start3A = arith.constant 0 : i32
    %dma_start3A_39 = arith.constant 0 : i32
    %dma_start3A_40 = tpu.memref_slice %arg11[%dma_start3A, %dma_start3A_39] : memref<1280x32xf32, #tpu.memory_space<vmem>> -> memref<128x32xf32, #tpu.memory_space<vmem>>
    %dma_start3A_41 = arith.constant 0 : i32
    %dma_start3A_42 = tpu.memref_slice %arg9[%dma_start3A_41] : memref<640xi32, #tpu.memory_space<vmem>> -> memref<128xi32, #tpu.memory_space<vmem>>
    %dma_start3A_43 = arith.constant 0 : i32
    %dma_start3A_44 = arith.constant 0 : i32
    %dma_start3A_45 = tpu.memref_slice %arg2[%dma_start3A_43, %dma_start3A_44] : memref<400000x32xf32, #tpu.memory_space<hbm>> -> memref<400000x32xf32, #tpu.memory_space<hbm>>
    tpu.enqueue_indirect_dma source(%dma_start3A_45 : memref<400000x32xf32, #tpu.memory_space<hbm>>) target(%dma_start3A_40 : memref<128x32xf32, #tpu.memory_space<vmem>>) offsets(%dma_start3A_42 : memref<128xi32, #tpu.memory_space<vmem>>) semaphore(%arg13 : memref<!tpu.dma_semaphore, #tpu.memory_space<semaphore_mem>>)
    %dma_start3A_46 = arith.constant 128 : i32
    %dma_start3A_47 = arith.constant 0 : i32
    %dma_start3A_48 = tpu.memref_slice %arg11[%dma_start3A_46, %dma_start3A_47] : memref<1280x32xf32, #tpu.memory_space<vmem>> -> memref<128x32xf32, #tpu.memory_space<vmem>>
    %dma_start3A_49 = arith.constant 128 : i32
    %dma_start3A_50 = tpu.memref_slice %arg9[%dma_start3A_49] : memref<640xi32, #tpu.memory_space<vmem>> -> memref<128xi32, #tpu.memory_space<vmem>>
    %dma_start3A_51 = arith.constant 0 : i32
    %dma_start3A_52 = arith.constant 0 : i32
    %dma_start3A_53 = tpu.memref_slice %arg2[%dma_start3A_51, %dma_start3A_52] : memref<400000x32xf32, #tpu.memory_space<hbm>> -> memref<400000x32xf32, #tpu.memory_space<hbm>>
    tpu.enqueue_indirect_dma source(%dma_start3A_53 : memref<400000x32xf32, #tpu.memory_space<hbm>>) target(%dma_start3A_48 : memref<128x32xf32, #tpu.memory_space<vmem>>) offsets(%dma_start3A_50 : memref<128xi32, #tpu.memory_space<vmem>>) semaphore(%arg13 : memref<!tpu.dma_semaphore, #tpu.memory_space<semaphore_mem>>)
    %dma_start3A_54 = arith.constant 256 : i32
    %dma_start3A_55 = arith.constant 0 : i32
    %dma_start3A_56 = tpu.memref_slice %arg11[%dma_start3A_54, %dma_start3A_55] : memref<1280x32xf32, #tpu.memory_space<vmem>> -> memref<128x32xf32, #tpu.memory_space<vmem>>
    %dma_start3A_57 = arith.constant 256 : i32
    %dma_start3A_58 = tpu.memref_slice %arg9[%dma_start3A_57] : memref<640xi32, #tpu.memory_space<vmem>> -> memref<128xi32, #tpu.memory_space<vmem>>
    %dma_start3A_59 = arith.constant 0 : i32
    %dma_start3A_60 = arith.constant 0 : i32
    %dma_start3A_61 = tpu.memref_slice %arg2[%dma_start3A_59, %dma_start3A_60] : memref<400000x32xf32, #tpu.memory_space<hbm>> -> memref<400000x32xf32, #tpu.memory_space<hbm>>
    tpu.enqueue_indirect_dma source(%dma_start3A_61 : memref<400000x32xf32, #tpu.memory_space<hbm>>) target(%dma_start3A_56 : memref<128x32xf32, #tpu.memory_space<vmem>>) offsets(%dma_start3A_58 : memref<128xi32, #tpu.memory_space<vmem>>) semaphore(%arg13 : memref<!tpu.dma_semaphore, #tpu.memory_space<semaphore_mem>>)
    %dma_start3A_62 = arith.constant 384 : i32
    %dma_start3A_63 = arith.constant 0 : i32
    %dma_start3A_64 = tpu.memref_slice %arg11[%dma_start3A_62, %dma_start3A_63] : memref<1280x32xf32, #tpu.memory_space<vmem>> -> memref<128x32xf32, #tpu.memory_space<vmem>>
    %dma_start3A_65 = arith.constant 384 : i32
    %dma_start3A_66 = tpu.memref_slice %arg9[%dma_start3A_65] : memref<640xi32, #tpu.memory_space<vmem>> -> memref<128xi32, #tpu.memory_space<vmem>>
    %dma_start3A_67 = arith.constant 0 : i32
    %dma_start3A_68 = arith.constant 0 : i32
    %dma_start3A_69 = tpu.memref_slice %arg2[%dma_start3A_67, %dma_start3A_68] : memref<400000x32xf32, #tpu.memory_space<hbm>> -> memref<400000x32xf32, #tpu.memory_space<hbm>>
    tpu.enqueue_indirect_dma source(%dma_start3A_69 : memref<400000x32xf32, #tpu.memory_space<hbm>>) target(%dma_start3A_64 : memref<128x32xf32, #tpu.memory_space<vmem>>) offsets(%dma_start3A_66 : memref<128xi32, #tpu.memory_space<vmem>>) semaphore(%arg13 : memref<!tpu.dma_semaphore, #tpu.memory_space<semaphore_mem>>)
    %dma_start3A_70 = arith.constant 512 : i32
    %dma_start3A_71 = arith.constant 0 : i32
    %dma_start3A_72 = tpu.memref_slice %arg11[%dma_start3A_70, %dma_start3A_71] : memref<1280x32xf32, #tpu.memory_space<vmem>> -> memref<128x32xf32, #tpu.memory_space<vmem>>
    %dma_start3A_73 = arith.constant 512 : i32
    %dma_start3A_74 = tpu.memref_slice %arg9[%dma_start3A_73] : memref<640xi32, #tpu.memory_space<vmem>> -> memref<128xi32, #tpu.memory_space<vmem>>
    %dma_start3A_75 = arith.constant 0 : i32
    %dma_start3A_76 = arith.constant 0 : i32
    %dma_start3A_77 = tpu.memref_slice %arg2[%dma_start3A_75, %dma_start3A_76] : memref<400000x32xf32, #tpu.memory_space<hbm>> -> memref<400000x32xf32, #tpu.memory_space<hbm>>
    tpu.enqueue_indirect_dma source(%dma_start3A_77 : memref<400000x32xf32, #tpu.memory_space<hbm>>) target(%dma_start3A_72 : memref<128x32xf32, #tpu.memory_space<vmem>>) offsets(%dma_start3A_74 : memref<128xi32, #tpu.memory_space<vmem>>) semaphore(%arg13 : memref<!tpu.dma_semaphore, #tpu.memory_space<semaphore_mem>>)
    %dma_wait3A = arith.constant 0 : i32
    %dma_wait3A_78 = arith.constant 0 : i32
    %dma_wait3A_79 = tpu.memref_slice %arg11[%dma_wait3A, %dma_wait3A_78] : memref<1280x32xf32, #tpu.memory_space<vmem>> -> memref<128x32xf32, #tpu.memory_space<vmem>>
    %dma_wait3A_80 = arith.constant 0 : i32
    %dma_wait3A_81 = tpu.memref_slice %arg9[%dma_wait3A_80] : memref<640xi32, #tpu.memory_space<vmem>> -> memref<128xi32, #tpu.memory_space<vmem>>
    %dma_wait3A_82 = arith.constant 0 : i32
    %dma_wait3A_83 = arith.constant 0 : i32
    %dma_wait3A_84 = tpu.memref_slice %arg2[%dma_wait3A_82, %dma_wait3A_83] : memref<400000x32xf32, #tpu.memory_space<hbm>> -> memref<400000x32xf32, #tpu.memory_space<hbm>>
    tpu.wait_indirect_dma semaphore(%arg13 : memref<!tpu.dma_semaphore, #tpu.memory_space<semaphore_mem>>) src(%dma_wait3A_84 : memref<400000x32xf32, #tpu.memory_space<hbm>>) dst(%dma_wait3A_79 : memref<128x32xf32, #tpu.memory_space<vmem>>)
    %dma_wait3A_85 = arith.constant 128 : i32
    %dma_wait3A_86 = arith.constant 0 : i32
    %dma_wait3A_87 = tpu.memref_slice %arg11[%dma_wait3A_85, %dma_wait3A_86] : memref<1280x32xf32, #tpu.memory_space<vmem>> -> memref<128x32xf32, #tpu.memory_space<vmem>>
    %dma_wait3A_88 = arith.constant 128 : i32
    %dma_wait3A_89 = tpu.memref_slice %arg9[%dma_wait3A_88] : memref<640xi32, #tpu.memory_space<vmem>> -> memref<128xi32, #tpu.memory_space<vmem>>
    %dma_wait3A_90 = arith.constant 0 : i32
    %dma_wait3A_91 = arith.constant 0 : i32
    %dma_wait3A_92 = tpu.memref_slice %arg2[%dma_wait3A_90, %dma_wait3A_91] : memref<400000x32xf32, #tpu.memory_space<hbm>> -> memref<400000x32xf32, #tpu.memory_space<hbm>>
    tpu.wait_indirect_dma semaphore(%arg13 : memref<!tpu.dma_semaphore, #tpu.memory_space<semaphore_mem>>) src(%dma_wait3A_92 : memref<400000x32xf32, #tpu.memory_space<hbm>>) dst(%dma_wait3A_87 : memref<128x32xf32, #tpu.memory_space<vmem>>)
    %dma_wait3A_93 = arith.constant 256 : i32
    %dma_wait3A_94 = arith.constant 0 : i32
    %dma_wait3A_95 = tpu.memref_slice %arg11[%dma_wait3A_93, %dma_wait3A_94] : memref<1280x32xf32, #tpu.memory_space<vmem>> -> memref<128x32xf32, #tpu.memory_space<vmem>>
    %dma_wait3A_96 = arith.constant 256 : i32
    %dma_wait3A_97 = tpu.memref_slice %arg9[%dma_wait3A_96] : memref<640xi32, #tpu.memory_space<vmem>> -> memref<128xi32, #tpu.memory_space<vmem>>
    %dma_wait3A_98 = arith.constant 0 : i32
    %dma_wait3A_99 = arith.constant 0 : i32
    %dma_wait3A_100 = tpu.memref_slice %arg2[%dma_wait3A_98, %dma_wait3A_99] : memref<400000x32xf32, #tpu.memory_space<hbm>> -> memref<400000x32xf32, #tpu.memory_space<hbm>>
    tpu.wait_indirect_dma semaphore(%arg13 : memref<!tpu.dma_semaphore, #tpu.memory_space<semaphore_mem>>) src(%dma_wait3A_100 : memref<400000x32xf32, #tpu.memory_space<hbm>>) dst(%dma_wait3A_95 : memref<128x32xf32, #tpu.memory_space<vmem>>)
    %dma_wait3A_101 = arith.constant 384 : i32
    %dma_wait3A_102 = arith.constant 0 : i32
    %dma_wait3A_103 = tpu.memref_slice %arg11[%dma_wait3A_101, %dma_wait3A_102] : memref<1280x32xf32, #tpu.memory_space<vmem>> -> memref<128x32xf32, #tpu.memory_space<vmem>>
    %dma_wait3A_104 = arith.constant 384 : i32
    %dma_wait3A_105 = tpu.memref_slice %arg9[%dma_wait3A_104] : memref<640xi32, #tpu.memory_space<vmem>> -> memref<128xi32, #tpu.memory_space<vmem>>
    %dma_wait3A_106 = arith.constant 0 : i32
    %dma_wait3A_107 = arith.constant 0 : i32
    %dma_wait3A_108 = tpu.memref_slice %arg2[%dma_wait3A_106, %dma_wait3A_107] : memref<400000x32xf32, #tpu.memory_space<hbm>> -> memref<400000x32xf32, #tpu.memory_space<hbm>>
    tpu.wait_indirect_dma semaphore(%arg13 : memref<!tpu.dma_semaphore, #tpu.memory_space<semaphore_mem>>) src(%dma_wait3A_108 : memref<400000x32xf32, #tpu.memory_space<hbm>>) dst(%dma_wait3A_103 : memref<128x32xf32, #tpu.memory_space<vmem>>)
    %dma_wait3A_109 = arith.constant 512 : i32
    %dma_wait3A_110 = arith.constant 0 : i32
    %dma_wait3A_111 = tpu.memref_slice %arg11[%dma_wait3A_109, %dma_wait3A_110] : memref<1280x32xf32, #tpu.memory_space<vmem>> -> memref<128x32xf32, #tpu.memory_space<vmem>>
    %dma_wait3A_112 = arith.constant 512 : i32
    %dma_wait3A_113 = tpu.memref_slice %arg9[%dma_wait3A_112] : memref<640xi32, #tpu.memory_space<vmem>> -> memref<128xi32, #tpu.memory_space<vmem>>
    %dma_wait3A_114 = arith.constant 0 : i32
    %dma_wait3A_115 = arith.constant 0 : i32
    %dma_wait3A_116 = tpu.memref_slice %arg2[%dma_wait3A_114, %dma_wait3A_115] : memref<400000x32xf32, #tpu.memory_space<hbm>> -> memref<400000x32xf32, #tpu.memory_space<hbm>>
    tpu.wait_indirect_dma semaphore(%arg13 : memref<!tpu.dma_semaphore, #tpu.memory_space<semaphore_mem>>) src(%dma_wait3A_116 : memref<400000x32xf32, #tpu.memory_space<hbm>>) dst(%dma_wait3A_111 : memref<128x32xf32, #tpu.memory_space<vmem>>)
    "tpu.region"() ({
      %run_scoped3A = tpu.sem_alloc : memref<!tpu.dma_semaphore, #tpu.memory_space<semaphore_mem>>
      %dma_start3A_128 = arith.constant 0 : i32
      %dma_start3A_129 = arith.constant 0 : i32
      %dma_start3A_130 = tpu.memref_slice %arg11[%dma_start3A_128, %dma_start3A_129] : memref<1280x32xf32, #tpu.memory_space<vmem>> -> memref<640x32xf32, #tpu.memory_space<vmem>>
      %dma_start3A_131 = arith.constant 0 : i32
      %dma_start3A_132 = tpu.memref_slice %arg6[%multiple_of3A, %dma_start3A_131] : memref<20480x32xf32, #tpu.memory_space<hbm>> -> memref<640x32xf32, #tpu.memory_space<hbm>>
      %dma_start3A_133 = arith.constant 0 : i32
      %dma_start3A_134 = tpu.memref_slice %arg6[%multiple_of3A, %dma_start3A_133] : memref<20480x32xf32, #tpu.memory_space<hbm>> -> memref<640x32xf32, #tpu.memory_space<hbm>>
      %dma_start3A_135 = arith.constant 0 : i32
      %dma_start3A_136 = arith.constant 0 : i32
      %dma_start3A_137 = tpu.memref_slice %arg11[%dma_start3A_135, %dma_start3A_136] : memref<1280x32xf32, #tpu.memory_space<vmem>> -> memref<640x32xf32, #tpu.memory_space<vmem>>
      tpu.enqueue_dma source(%dma_start3A_137 : memref<640x32xf32, #tpu.memory_space<vmem>>) target(%dma_start3A_134 : memref<640x32xf32, #tpu.memory_space<hbm>>) target_semaphore(%run_scoped3A : memref<!tpu.dma_semaphore, #tpu.memory_space<semaphore_mem>>)
      %dma_wait3A_138 = arith.constant 0 : i32
      %dma_wait3A_139 = arith.constant 0 : i32
      %dma_wait3A_140 = tpu.memref_slice %arg11[%dma_wait3A_138, %dma_wait3A_139] : memref<1280x32xf32, #tpu.memory_space<vmem>> -> memref<640x32xf32, #tpu.memory_space<vmem>>
      %dma_wait3A_141 = arith.constant 0 : i32
      %dma_wait3A_142 = tpu.memref_slice %arg6[%multiple_of3A, %dma_wait3A_141] : memref<20480x32xf32, #tpu.memory_space<hbm>> -> memref<640x32xf32, #tpu.memory_space<hbm>>
      %dma_wait3A_143 = arith.constant 0 : i32
      %dma_wait3A_144 = tpu.memref_slice %arg6[%multiple_of3A, %dma_wait3A_143] : memref<20480x32xf32, #tpu.memory_space<hbm>> -> memref<640x32xf32, #tpu.memory_space<hbm>>
      %dma_wait3A_145 = arith.constant 0 : i32
      %dma_wait3A_146 = arith.constant 0 : i32
      %dma_wait3A_147 = tpu.memref_slice %arg11[%dma_wait3A_145, %dma_wait3A_146] : memref<1280x32xf32, #tpu.memory_space<vmem>> -> memref<640x32xf32, #tpu.memory_space<vmem>>
      tpu.wait_dma2 semaphore(%run_scoped3A : memref<!tpu.dma_semaphore, #tpu.memory_space<semaphore_mem>>) src(%dma_wait3A_147 : memref<640x32xf32, #tpu.memory_space<vmem>>) dst(%dma_wait3A_144 : memref<640x32xf32, #tpu.memory_space<hbm>>)
      tpu.yield
    }) : () -> ()
    "tpu.region"() ({
      %run_scoped3A = tpu.sem_alloc : memref<!tpu.dma_semaphore, #tpu.memory_space<semaphore_mem>>
      %dma_start3A_128 = tpu.memref_slice %arg4[%select_n3A, %multiple_of3A_38] : memref<16x10240xi32, #tpu.memory_space<hbm>> -> memref<1x5120xi32, #tpu.memory_space<hbm>>
      %dma_start3A_129 = tpu.memref_squeeze %dma_start3A_128 : memref<1x5120xi32, #tpu.memory_space<hbm>> -> memref<5120xi32, #tpu.memory_space<hbm>>
      %dma_start3A_130 = tpu.memref_slice %arg4[%select_n3A, %multiple_of3A_38] : memref<16x10240xi32, #tpu.memory_space<hbm>> -> memref<1x5120xi32, #tpu.memory_space<hbm>>
      %dma_start3A_131 = tpu.memref_squeeze %dma_start3A_130 : memref<1x5120xi32, #tpu.memory_space<hbm>> -> memref<5120xi32, #tpu.memory_space<hbm>>
      tpu.enqueue_dma source(%dma_start3A_131 : memref<5120xi32, #tpu.memory_space<hbm>>) target(%arg10 : memref<5120xi32, #tpu.memory_space<vmem>>) target_semaphore(%run_scoped3A : memref<!tpu.dma_semaphore, #tpu.memory_space<semaphore_mem>>)
      %dma_wait3A_132 = tpu.memref_slice %arg4[%select_n3A, %multiple_of3A_38] : memref<16x10240xi32, #tpu.memory_space<hbm>> -> memref<1x5120xi32, #tpu.memory_space<hbm>>
      %dma_wait3A_133 = tpu.memref_squeeze %dma_wait3A_132 : memref<1x5120xi32, #tpu.memory_space<hbm>> -> memref<5120xi32, #tpu.memory_space<hbm>>
      %dma_wait3A_134 = tpu.memref_slice %arg4[%select_n3A, %multiple_of3A_38] : memref<16x10240xi32, #tpu.memory_space<hbm>> -> memref<1x5120xi32, #tpu.memory_space<hbm>>
      %dma_wait3A_135 = tpu.memref_squeeze %dma_wait3A_134 : memref<1x5120xi32, #tpu.memory_space<hbm>> -> memref<5120xi32, #tpu.memory_space<hbm>>
      tpu.wait_dma2 semaphore(%run_scoped3A : memref<!tpu.dma_semaphore, #tpu.memory_space<semaphore_mem>>) src(%dma_wait3A_135 : memref<5120xi32, #tpu.memory_space<hbm>>) dst(%arg10 : memref<5120xi32, #tpu.memory_space<vmem>>)
      tpu.yield
    }) : () -> ()
    %scan3A = arith.constant 0 : i32
    %scan3A_117 = arith.constant 0 : i32
    %scan3A_118 = arith.constant 2 : i32
    %scan3A_119 = arith.addi %scan3A_117, %scan3A_118 : i32
    %scan3A_120 = arith.constant 1 : i32
    scf.for %scan3A_128 = %scan3A_117 to %scan3A_119 step %scan3A_120  : i32 {
      %mul3A_129 = arith.constant 2560 : i32
      %mul3A_130 = arith.muli %scan3A_128, %mul3A_129 : i32
      %multiple_of3A_131 = tpu.assume_multiple %mul3A_130, 2560 : i32
      %add3A_132 = arith.constant 1280 : i32
      %add3A_133 = arith.addi %multiple_of3A_131, %add3A_132 : i32
      %add3A_134 = arith.constant 0 : i32
      %add3A_135 = arith.addi %multiple_of3A_131, %add3A_134 : i32
      %dma_start3A_136 = arith.constant 0 : i32
      %dma_start3A_137 = arith.constant 0 : i32
      %dma_start3A_138 = tpu.memref_slice %arg11[%dma_start3A_136, %dma_start3A_137] : memref<1280x32xf32, #tpu.memory_space<vmem>> -> memref<128x32xf32, #tpu.memory_space<vmem>>
      %dma_start3A_139 = tpu.memref_slice %arg10[%add3A_135] : memref<5120xi32, #tpu.memory_space<vmem>> -> memref<128xi32, #tpu.memory_space<vmem>>
      %dma_start3A_140 = arith.constant 0 : i32
      %dma_start3A_141 = arith.constant 0 : i32
      %dma_start3A_142 = tpu.memref_slice %arg2[%dma_start3A_140, %dma_start3A_141] : memref<400000x32xf32, #tpu.memory_space<hbm>> -> memref<400000x32xf32, #tpu.memory_space<hbm>>
      tpu.enqueue_indirect_dma source(%dma_start3A_142 : memref<400000x32xf32, #tpu.memory_space<hbm>>) target(%dma_start3A_138 : memref<128x32xf32, #tpu.memory_space<vmem>>) offsets(%dma_start3A_139 : memref<128xi32, #tpu.memory_space<vmem>>) semaphore(%arg13 : memref<!tpu.dma_semaphore, #tpu.memory_space<semaphore_mem>>)
      %add3A_143 = arith.constant 128 : i32
      %add3A_144 = arith.addi %multiple_of3A_131, %add3A_143 : i32
      %dma_start3A_145 = arith.constant 128 : i32
      %dma_start3A_146 = arith.constant 0 : i32
      %dma_start3A_147 = tpu.memref_slice %arg11[%dma_start3A_145, %dma_start3A_146] : memref<1280x32xf32, #tpu.memory_space<vmem>> -> memref<128x32xf32, #tpu.memory_space<vmem>>
      %dma_start3A_148 = tpu.memref_slice %arg10[%add3A_144] : memref<5120xi32, #tpu.memory_space<vmem>> -> memref<128xi32, #tpu.memory_space<vmem>>
      %dma_start3A_149 = arith.constant 0 : i32
      %dma_start3A_150 = arith.constant 0 : i32
      %dma_start3A_151 = tpu.memref_slice %arg2[%dma_start3A_149, %dma_start3A_150] : memref<400000x32xf32, #tpu.memory_space<hbm>> -> memref<400000x32xf32, #tpu.memory_space<hbm>>
      tpu.enqueue_indirect_dma source(%dma_start3A_151 : memref<400000x32xf32, #tpu.memory_space<hbm>>) target(%dma_start3A_147 : memref<128x32xf32, #tpu.memory_space<vmem>>) offsets(%dma_start3A_148 : memref<128xi32, #tpu.memory_space<vmem>>) semaphore(%arg13 : memref<!tpu.dma_semaphore, #tpu.memory_space<semaphore_mem>>)
      %add3A_152 = arith.constant 256 : i32
      %add3A_153 = arith.addi %multiple_of3A_131, %add3A_152 : i32
      %dma_start3A_154 = arith.constant 256 : i32
      %dma_start3A_155 = arith.constant 0 : i32
      %dma_start3A_156 = tpu.memref_slice %arg11[%dma_start3A_154, %dma_start3A_155] : memref<1280x32xf32, #tpu.memory_space<vmem>> -> memref<128x32xf32, #tpu.memory_space<vmem>>
      %dma_start3A_157 = tpu.memref_slice %arg10[%add3A_153] : memref<5120xi32, #tpu.memory_space<vmem>> -> memref<128xi32, #tpu.memory_space<vmem>>
      %dma_start3A_158 = arith.constant 0 : i32
      %dma_start3A_159 = arith.constant 0 : i32
      %dma_start3A_160 = tpu.memref_slice %arg2[%dma_start3A_158, %dma_start3A_159] : memref<400000x32xf32, #tpu.memory_space<hbm>> -> memref<400000x32xf32, #tpu.memory_space<hbm>>
      tpu.enqueue_indirect_dma source(%dma_start3A_160 : memref<400000x32xf32, #tpu.memory_space<hbm>>) target(%dma_start3A_156 : memref<128x32xf32, #tpu.memory_space<vmem>>) offsets(%dma_start3A_157 : memref<128xi32, #tpu.memory_space<vmem>>) semaphore(%arg13 : memref<!tpu.dma_semaphore, #tpu.memory_space<semaphore_mem>>)
      %add3A_161 = arith.constant 384 : i32
      %add3A_162 = arith.addi %multiple_of3A_131, %add3A_161 : i32
      %dma_start3A_163 = arith.constant 384 : i32
      %dma_start3A_164 = arith.constant 0 : i32
      %dma_start3A_165 = tpu.memref_slice %arg11[%dma_start3A_163, %dma_start3A_164] : memref<1280x32xf32, #tpu.memory_space<vmem>> -> memref<128x32xf32, #tpu.memory_space<vmem>>
      %dma_start3A_166 = tpu.memref_slice %arg10[%add3A_162] : memref<5120xi32, #tpu.memory_space<vmem>> -> memref<128xi32, #tpu.memory_space<vmem>>
      %dma_start3A_167 = arith.constant 0 : i32
      %dma_start3A_168 = arith.constant 0 : i32
      %dma_start3A_169 = tpu.memref_slice %arg2[%dma_start3A_167, %dma_start3A_168] : memref<400000x32xf32, #tpu.memory_space<hbm>> -> memref<400000x32xf32, #tpu.memory_space<hbm>>
      tpu.enqueue_indirect_dma source(%dma_start3A_169 : memref<400000x32xf32, #tpu.memory_space<hbm>>) target(%dma_start3A_165 : memref<128x32xf32, #tpu.memory_space<vmem>>) offsets(%dma_start3A_166 : memref<128xi32, #tpu.memory_space<vmem>>) semaphore(%arg13 : memref<!tpu.dma_semaphore, #tpu.memory_space<semaphore_mem>>)
      %add3A_170 = arith.constant 512 : i32
      %add3A_171 = arith.addi %multiple_of3A_131, %add3A_170 : i32
      %dma_start3A_172 = arith.constant 512 : i32
      %dma_start3A_173 = arith.constant 0 : i32
      %dma_start3A_174 = tpu.memref_slice %arg11[%dma_start3A_172, %dma_start3A_173] : memref<1280x32xf32, #tpu.memory_space<vmem>> -> memref<128x32xf32, #tpu.memory_space<vmem>>
      %dma_start3A_175 = tpu.memref_slice %arg10[%add3A_171] : memref<5120xi32, #tpu.memory_space<vmem>> -> memref<128xi32, #tpu.memory_space<vmem>>
      %dma_start3A_176 = arith.constant 0 : i32
      %dma_start3A_177 = arith.constant 0 : i32
      %dma_start3A_178 = tpu.memref_slice %arg2[%dma_start3A_176, %dma_start3A_177] : memref<400000x32xf32, #tpu.memory_space<hbm>> -> memref<400000x32xf32, #tpu.memory_space<hbm>>
      tpu.enqueue_indirect_dma source(%dma_start3A_178 : memref<400000x32xf32, #tpu.memory_space<hbm>>) target(%dma_start3A_174 : memref<128x32xf32, #tpu.memory_space<vmem>>) offsets(%dma_start3A_175 : memref<128xi32, #tpu.memory_space<vmem>>) semaphore(%arg13 : memref<!tpu.dma_semaphore, #tpu.memory_space<semaphore_mem>>)
      %add3A_179 = arith.constant 640 : i32
      %add3A_180 = arith.addi %multiple_of3A_131, %add3A_179 : i32
      %dma_start3A_181 = arith.constant 640 : i32
      %dma_start3A_182 = arith.constant 0 : i32
      %dma_start3A_183 = tpu.memref_slice %arg11[%dma_start3A_181, %dma_start3A_182] : memref<1280x32xf32, #tpu.memory_space<vmem>> -> memref<128x32xf32, #tpu.memory_space<vmem>>
      %dma_start3A_184 = tpu.memref_slice %arg10[%add3A_180] : memref<5120xi32, #tpu.memory_space<vmem>> -> memref<128xi32, #tpu.memory_space<vmem>>
      %dma_start3A_185 = arith.constant 0 : i32
      %dma_start3A_186 = arith.constant 0 : i32
      %dma_start3A_187 = tpu.memref_slice %arg2[%dma_start3A_185, %dma_start3A_186] : memref<400000x32xf32, #tpu.memory_space<hbm>> -> memref<400000x32xf32, #tpu.memory_space<hbm>>
      tpu.enqueue_indirect_dma source(%dma_start3A_187 : memref<400000x32xf32, #tpu.memory_space<hbm>>) target(%dma_start3A_183 : memref<128x32xf32, #tpu.memory_space<vmem>>) offsets(%dma_start3A_184 : memref<128xi32, #tpu.memory_space<vmem>>) semaphore(%arg13 : memref<!tpu.dma_semaphore, #tpu.memory_space<semaphore_mem>>)
      %add3A_188 = arith.constant 768 : i32
      %add3A_189 = arith.addi %multiple_of3A_131, %add3A_188 : i32
      %dma_start3A_190 = arith.constant 768 : i32
      %dma_start3A_191 = arith.constant 0 : i32
      %dma_start3A_192 = tpu.memref_slice %arg11[%dma_start3A_190, %dma_start3A_191] : memref<1280x32xf32, #tpu.memory_space<vmem>> -> memref<128x32xf32, #tpu.memory_space<vmem>>
      %dma_start3A_193 = tpu.memref_slice %arg10[%add3A_189] : memref<5120xi32, #tpu.memory_space<vmem>> -> memref<128xi32, #tpu.memory_space<vmem>>
      %dma_start3A_194 = arith.constant 0 : i32
      %dma_start3A_195 = arith.constant 0 : i32
      %dma_start3A_196 = tpu.memref_slice %arg2[%dma_start3A_194, %dma_start3A_195] : memref<400000x32xf32, #tpu.memory_space<hbm>> -> memref<400000x32xf32, #tpu.memory_space<hbm>>
      tpu.enqueue_indirect_dma source(%dma_start3A_196 : memref<400000x32xf32, #tpu.memory_space<hbm>>) target(%dma_start3A_192 : memref<128x32xf32, #tpu.memory_space<vmem>>) offsets(%dma_start3A_193 : memref<128xi32, #tpu.memory_space<vmem>>) semaphore(%arg13 : memref<!tpu.dma_semaphore, #tpu.memory_space<semaphore_mem>>)
      %add3A_197 = arith.constant 896 : i32
      %add3A_198 = arith.addi %multiple_of3A_131, %add3A_197 : i32
      %dma_start3A_199 = arith.constant 896 : i32
      %dma_start3A_200 = arith.constant 0 : i32
      %dma_start3A_201 = tpu.memref_slice %arg11[%dma_start3A_199, %dma_start3A_200] : memref<1280x32xf32, #tpu.memory_space<vmem>> -> memref<128x32xf32, #tpu.memory_space<vmem>>
      %dma_start3A_202 = tpu.memref_slice %arg10[%add3A_198] : memref<5120xi32, #tpu.memory_space<vmem>> -> memref<128xi32, #tpu.memory_space<vmem>>
      %dma_start3A_203 = arith.constant 0 : i32
      %dma_start3A_204 = arith.constant 0 : i32
      %dma_start3A_205 = tpu.memref_slice %arg2[%dma_start3A_203, %dma_start3A_204] : memref<400000x32xf32, #tpu.memory_space<hbm>> -> memref<400000x32xf32, #tpu.memory_space<hbm>>
      tpu.enqueue_indirect_dma source(%dma_start3A_205 : memref<400000x32xf32, #tpu.memory_space<hbm>>) target(%dma_start3A_201 : memref<128x32xf32, #tpu.memory_space<vmem>>) offsets(%dma_start3A_202 : memref<128xi32, #tpu.memory_space<vmem>>) semaphore(%arg13 : memref<!tpu.dma_semaphore, #tpu.memory_space<semaphore_mem>>)
      %add3A_206 = arith.constant 1024 : i32
      %add3A_207 = arith.addi %multiple_of3A_131, %add3A_206 : i32
      %dma_start3A_208 = arith.constant 1024 : i32
      %dma_start3A_209 = arith.constant 0 : i32
      %dma_start3A_210 = tpu.memref_slice %arg11[%dma_start3A_208, %dma_start3A_209] : memref<1280x32xf32, #tpu.memory_space<vmem>> -> memref<128x32xf32, #tpu.memory_space<vmem>>
      %dma_start3A_211 = tpu.memref_slice %arg10[%add3A_207] : memref<5120xi32, #tpu.memory_space<vmem>> -> memref<128xi32, #tpu.memory_space<vmem>>
      %dma_start3A_212 = arith.constant 0 : i32
      %dma_start3A_213 = arith.constant 0 : i32
      %dma_start3A_214 = tpu.memref_slice %arg2[%dma_start3A_212, %dma_start3A_213] : memref<400000x32xf32, #tpu.memory_space<hbm>> -> memref<400000x32xf32, #tpu.memory_space<hbm>>
      tpu.enqueue_indirect_dma source(%dma_start3A_214 : memref<400000x32xf32, #tpu.memory_space<hbm>>) target(%dma_start3A_210 : memref<128x32xf32, #tpu.memory_space<vmem>>) offsets(%dma_start3A_211 : memref<128xi32, #tpu.memory_space<vmem>>) semaphore(%arg13 : memref<!tpu.dma_semaphore, #tpu.memory_space<semaphore_mem>>)
      %add3A_215 = arith.constant 1152 : i32
      %add3A_216 = arith.addi %multiple_of3A_131, %add3A_215 : i32
      %dma_start3A_217 = arith.constant 1152 : i32
      %dma_start3A_218 = arith.constant 0 : i32
      %dma_start3A_219 = tpu.memref_slice %arg11[%dma_start3A_217, %dma_start3A_218] : memref<1280x32xf32, #tpu.memory_space<vmem>> -> memref<128x32xf32, #tpu.memory_space<vmem>>
      %dma_start3A_220 = tpu.memref_slice %arg10[%add3A_216] : memref<5120xi32, #tpu.memory_space<vmem>> -> memref<128xi32, #tpu.memory_space<vmem>>
      %dma_start3A_221 = arith.constant 0 : i32
      %dma_start3A_222 = arith.constant 0 : i32
      %dma_start3A_223 = tpu.memref_slice %arg2[%dma_start3A_221, %dma_start3A_222] : memref<400000x32xf32, #tpu.memory_space<hbm>> -> memref<400000x32xf32, #tpu.memory_space<hbm>>
      tpu.enqueue_indirect_dma source(%dma_start3A_223 : memref<400000x32xf32, #tpu.memory_space<hbm>>) target(%dma_start3A_219 : memref<128x32xf32, #tpu.memory_space<vmem>>) offsets(%dma_start3A_220 : memref<128xi32, #tpu.memory_space<vmem>>) semaphore(%arg13 : memref<!tpu.dma_semaphore, #tpu.memory_space<semaphore_mem>>)
      %add3A_224 = arith.constant 0 : i32
      %add3A_225 = arith.addi %add3A_133, %add3A_224 : i32
      %dma_start3A_226 = arith.constant 0 : i32
      %dma_start3A_227 = arith.constant 0 : i32
      %dma_start3A_228 = tpu.memref_slice %arg12[%dma_start3A_226, %dma_start3A_227] : memref<1280x32xf32, #tpu.memory_space<vmem>> -> memref<128x32xf32, #tpu.memory_space<vmem>>
      %dma_start3A_229 = tpu.memref_slice %arg10[%add3A_225] : memref<5120xi32, #tpu.memory_space<vmem>> -> memref<128xi32, #tpu.memory_space<vmem>>
      %dma_start3A_230 = arith.constant 0 : i32
      %dma_start3A_231 = arith.constant 0 : i32
      %dma_start3A_232 = tpu.memref_slice %arg2[%dma_start3A_230, %dma_start3A_231] : memref<400000x32xf32, #tpu.memory_space<hbm>> -> memref<400000x32xf32, #tpu.memory_space<hbm>>
      tpu.enqueue_indirect_dma source(%dma_start3A_232 : memref<400000x32xf32, #tpu.memory_space<hbm>>) target(%dma_start3A_228 : memref<128x32xf32, #tpu.memory_space<vmem>>) offsets(%dma_start3A_229 : memref<128xi32, #tpu.memory_space<vmem>>) semaphore(%arg14 : memref<!tpu.dma_semaphore, #tpu.memory_space<semaphore_mem>>)
      %add3A_233 = arith.constant 128 : i32
      %add3A_234 = arith.addi %add3A_133, %add3A_233 : i32
      %dma_start3A_235 = arith.constant 128 : i32
      %dma_start3A_236 = arith.constant 0 : i32
      %dma_start3A_237 = tpu.memref_slice %arg12[%dma_start3A_235, %dma_start3A_236] : memref<1280x32xf32, #tpu.memory_space<vmem>> -> memref<128x32xf32, #tpu.memory_space<vmem>>
      %dma_start3A_238 = tpu.memref_slice %arg10[%add3A_234] : memref<5120xi32, #tpu.memory_space<vmem>> -> memref<128xi32, #tpu.memory_space<vmem>>
      %dma_start3A_239 = arith.constant 0 : i32
      %dma_start3A_240 = arith.constant 0 : i32
      %dma_start3A_241 = tpu.memref_slice %arg2[%dma_start3A_239, %dma_start3A_240] : memref<400000x32xf32, #tpu.memory_space<hbm>> -> memref<400000x32xf32, #tpu.memory_space<hbm>>
      tpu.enqueue_indirect_dma source(%dma_start3A_241 : memref<400000x32xf32, #tpu.memory_space<hbm>>) target(%dma_start3A_237 : memref<128x32xf32, #tpu.memory_space<vmem>>) offsets(%dma_start3A_238 : memref<128xi32, #tpu.memory_space<vmem>>) semaphore(%arg14 : memref<!tpu.dma_semaphore, #tpu.memory_space<semaphore_mem>>)
      %add3A_242 = arith.constant 256 : i32
      %add3A_243 = arith.addi %add3A_133, %add3A_242 : i32
      %dma_start3A_244 = arith.constant 256 : i32
      %dma_start3A_245 = arith.constant 0 : i32
      %dma_start3A_246 = tpu.memref_slice %arg12[%dma_start3A_244, %dma_start3A_245] : memref<1280x32xf32, #tpu.memory_space<vmem>> -> memref<128x32xf32, #tpu.memory_space<vmem>>
      %dma_start3A_247 = tpu.memref_slice %arg10[%add3A_243] : memref<5120xi32, #tpu.memory_space<vmem>> -> memref<128xi32, #tpu.memory_space<vmem>>
      %dma_start3A_248 = arith.constant 0 : i32
      %dma_start3A_249 = arith.constant 0 : i32
      %dma_start3A_250 = tpu.memref_slice %arg2[%dma_start3A_248, %dma_start3A_249] : memref<400000x32xf32, #tpu.memory_space<hbm>> -> memref<400000x32xf32, #tpu.memory_space<hbm>>
      tpu.enqueue_indirect_dma source(%dma_start3A_250 : memref<400000x32xf32, #tpu.memory_space<hbm>>) target(%dma_start3A_246 : memref<128x32xf32, #tpu.memory_space<vmem>>) offsets(%dma_start3A_247 : memref<128xi32, #tpu.memory_space<vmem>>) semaphore(%arg14 : memref<!tpu.dma_semaphore, #tpu.memory_space<semaphore_mem>>)
      %add3A_251 = arith.constant 384 : i32
      %add3A_252 = arith.addi %add3A_133, %add3A_251 : i32
      %dma_start3A_253 = arith.constant 384 : i32
      %dma_start3A_254 = arith.constant 0 : i32
      %dma_start3A_255 = tpu.memref_slice %arg12[%dma_start3A_253, %dma_start3A_254] : memref<1280x32xf32, #tpu.memory_space<vmem>> -> memref<128x32xf32, #tpu.memory_space<vmem>>
      %dma_start3A_256 = tpu.memref_slice %arg10[%add3A_252] : memref<5120xi32, #tpu.memory_space<vmem>> -> memref<128xi32, #tpu.memory_space<vmem>>
      %dma_start3A_257 = arith.constant 0 : i32
      %dma_start3A_258 = arith.constant 0 : i32
      %dma_start3A_259 = tpu.memref_slice %arg2[%dma_start3A_257, %dma_start3A_258] : memref<400000x32xf32, #tpu.memory_space<hbm>> -> memref<400000x32xf32, #tpu.memory_space<hbm>>
      tpu.enqueue_indirect_dma source(%dma_start3A_259 : memref<400000x32xf32, #tpu.memory_space<hbm>>) target(%dma_start3A_255 : memref<128x32xf32, #tpu.memory_space<vmem>>) offsets(%dma_start3A_256 : memref<128xi32, #tpu.memory_space<vmem>>) semaphore(%arg14 : memref<!tpu.dma_semaphore, #tpu.memory_space<semaphore_mem>>)
      %add3A_260 = arith.constant 512 : i32
      %add3A_261 = arith.addi %add3A_133, %add3A_260 : i32
      %dma_start3A_262 = arith.constant 512 : i32
      %dma_start3A_263 = arith.constant 0 : i32
      %dma_start3A_264 = tpu.memref_slice %arg12[%dma_start3A_262, %dma_start3A_263] : memref<1280x32xf32, #tpu.memory_space<vmem>> -> memref<128x32xf32, #tpu.memory_space<vmem>>
      %dma_start3A_265 = tpu.memref_slice %arg10[%add3A_261] : memref<5120xi32, #tpu.memory_space<vmem>> -> memref<128xi32, #tpu.memory_space<vmem>>
      %dma_start3A_266 = arith.constant 0 : i32
      %dma_start3A_267 = arith.constant 0 : i32
      %dma_start3A_268 = tpu.memref_slice %arg2[%dma_start3A_266, %dma_start3A_267] : memref<400000x32xf32, #tpu.memory_space<hbm>> -> memref<400000x32xf32, #tpu.memory_space<hbm>>
      tpu.enqueue_indirect_dma source(%dma_start3A_268 : memref<400000x32xf32, #tpu.memory_space<hbm>>) target(%dma_start3A_264 : memref<128x32xf32, #tpu.memory_space<vmem>>) offsets(%dma_start3A_265 : memref<128xi32, #tpu.memory_space<vmem>>) semaphore(%arg14 : memref<!tpu.dma_semaphore, #tpu.memory_space<semaphore_mem>>)
      %add3A_269 = arith.constant 640 : i32
      %add3A_270 = arith.addi %add3A_133, %add3A_269 : i32
      %dma_start3A_271 = arith.constant 640 : i32
      %dma_start3A_272 = arith.constant 0 : i32
      %dma_start3A_273 = tpu.memref_slice %arg12[%dma_start3A_271, %dma_start3A_272] : memref<1280x32xf32, #tpu.memory_space<vmem>> -> memref<128x32xf32, #tpu.memory_space<vmem>>
      %dma_start3A_274 = tpu.memref_slice %arg10[%add3A_270] : memref<5120xi32, #tpu.memory_space<vmem>> -> memref<128xi32, #tpu.memory_space<vmem>>
      %dma_start3A_275 = arith.constant 0 : i32
      %dma_start3A_276 = arith.constant 0 : i32
      %dma_start3A_277 = tpu.memref_slice %arg2[%dma_start3A_275, %dma_start3A_276] : memref<400000x32xf32, #tpu.memory_space<hbm>> -> memref<400000x32xf32, #tpu.memory_space<hbm>>
      tpu.enqueue_indirect_dma source(%dma_start3A_277 : memref<400000x32xf32, #tpu.memory_space<hbm>>) target(%dma_start3A_273 : memref<128x32xf32, #tpu.memory_space<vmem>>) offsets(%dma_start3A_274 : memref<128xi32, #tpu.memory_space<vmem>>) semaphore(%arg14 : memref<!tpu.dma_semaphore, #tpu.memory_space<semaphore_mem>>)
      %add3A_278 = arith.constant 768 : i32
      %add3A_279 = arith.addi %add3A_133, %add3A_278 : i32
      %dma_start3A_280 = arith.constant 768 : i32
      %dma_start3A_281 = arith.constant 0 : i32
      %dma_start3A_282 = tpu.memref_slice %arg12[%dma_start3A_280, %dma_start3A_281] : memref<1280x32xf32, #tpu.memory_space<vmem>> -> memref<128x32xf32, #tpu.memory_space<vmem>>
      %dma_start3A_283 = tpu.memref_slice %arg10[%add3A_279] : memref<5120xi32, #tpu.memory_space<vmem>> -> memref<128xi32, #tpu.memory_space<vmem>>
      %dma_start3A_284 = arith.constant 0 : i32
      %dma_start3A_285 = arith.constant 0 : i32
      %dma_start3A_286 = tpu.memref_slice %arg2[%dma_start3A_284, %dma_start3A_285] : memref<400000x32xf32, #tpu.memory_space<hbm>> -> memref<400000x32xf32, #tpu.memory_space<hbm>>
      tpu.enqueue_indirect_dma source(%dma_start3A_286 : memref<400000x32xf32, #tpu.memory_space<hbm>>) target(%dma_start3A_282 : memref<128x32xf32, #tpu.memory_space<vmem>>) offsets(%dma_start3A_283 : memref<128xi32, #tpu.memory_space<vmem>>) semaphore(%arg14 : memref<!tpu.dma_semaphore, #tpu.memory_space<semaphore_mem>>)
      %add3A_287 = arith.constant 896 : i32
      %add3A_288 = arith.addi %add3A_133, %add3A_287 : i32
      %dma_start3A_289 = arith.constant 896 : i32
      %dma_start3A_290 = arith.constant 0 : i32
      %dma_start3A_291 = tpu.memref_slice %arg12[%dma_start3A_289, %dma_start3A_290] : memref<1280x32xf32, #tpu.memory_space<vmem>> -> memref<128x32xf32, #tpu.memory_space<vmem>>
      %dma_start3A_292 = tpu.memref_slice %arg10[%add3A_288] : memref<5120xi32, #tpu.memory_space<vmem>> -> memref<128xi32, #tpu.memory_space<vmem>>
      %dma_start3A_293 = arith.constant 0 : i32
      %dma_start3A_294 = arith.constant 0 : i32
      %dma_start3A_295 = tpu.memref_slice %arg2[%dma_start3A_293, %dma_start3A_294] : memref<400000x32xf32, #tpu.memory_space<hbm>> -> memref<400000x32xf32, #tpu.memory_space<hbm>>
      tpu.enqueue_indirect_dma source(%dma_start3A_295 : memref<400000x32xf32, #tpu.memory_space<hbm>>) target(%dma_start3A_291 : memref<128x32xf32, #tpu.memory_space<vmem>>) offsets(%dma_start3A_292 : memref<128xi32, #tpu.memory_space<vmem>>) semaphore(%arg14 : memref<!tpu.dma_semaphore, #tpu.memory_space<semaphore_mem>>)
      %add3A_296 = arith.constant 1024 : i32
      %add3A_297 = arith.addi %add3A_133, %add3A_296 : i32
      %dma_start3A_298 = arith.constant 1024 : i32
      %dma_start3A_299 = arith.constant 0 : i32
      %dma_start3A_300 = tpu.memref_slice %arg12[%dma_start3A_298, %dma_start3A_299] : memref<1280x32xf32, #tpu.memory_space<vmem>> -> memref<128x32xf32, #tpu.memory_space<vmem>>
      %dma_start3A_301 = tpu.memref_slice %arg10[%add3A_297] : memref<5120xi32, #tpu.memory_space<vmem>> -> memref<128xi32, #tpu.memory_space<vmem>>
      %dma_start3A_302 = arith.constant 0 : i32
      %dma_start3A_303 = arith.constant 0 : i32
      %dma_start3A_304 = tpu.memref_slice %arg2[%dma_start3A_302, %dma_start3A_303] : memref<400000x32xf32, #tpu.memory_space<hbm>> -> memref<400000x32xf32, #tpu.memory_space<hbm>>
      tpu.enqueue_indirect_dma source(%dma_start3A_304 : memref<400000x32xf32, #tpu.memory_space<hbm>>) target(%dma_start3A_300 : memref<128x32xf32, #tpu.memory_space<vmem>>) offsets(%dma_start3A_301 : memref<128xi32, #tpu.memory_space<vmem>>) semaphore(%arg14 : memref<!tpu.dma_semaphore, #tpu.memory_space<semaphore_mem>>)
      %add3A_305 = arith.constant 1152 : i32
      %add3A_306 = arith.addi %add3A_133, %add3A_305 : i32
      %dma_start3A_307 = arith.constant 1152 : i32
      %dma_start3A_308 = arith.constant 0 : i32
      %dma_start3A_309 = tpu.memref_slice %arg12[%dma_start3A_307, %dma_start3A_308] : memref<1280x32xf32, #tpu.memory_space<vmem>> -> memref<128x32xf32, #tpu.memory_space<vmem>>
      %dma_start3A_310 = tpu.memref_slice %arg10[%add3A_306] : memref<5120xi32, #tpu.memory_space<vmem>> -> memref<128xi32, #tpu.memory_space<vmem>>
      %dma_start3A_311 = arith.constant 0 : i32
      %dma_start3A_312 = arith.constant 0 : i32
      %dma_start3A_313 = tpu.memref_slice %arg2[%dma_start3A_311, %dma_start3A_312] : memref<400000x32xf32, #tpu.memory_space<hbm>> -> memref<400000x32xf32, #tpu.memory_space<hbm>>
      tpu.enqueue_indirect_dma source(%dma_start3A_313 : memref<400000x32xf32, #tpu.memory_space<hbm>>) target(%dma_start3A_309 : memref<128x32xf32, #tpu.memory_space<vmem>>) offsets(%dma_start3A_310 : memref<128xi32, #tpu.memory_space<vmem>>) semaphore(%arg14 : memref<!tpu.dma_semaphore, #tpu.memory_space<semaphore_mem>>)
      %dma_wait3A_314 = arith.constant 0 : i32
      %dma_wait3A_315 = arith.constant 0 : i32
      %dma_wait3A_316 = tpu.memref_slice %arg11[%dma_wait3A_314, %dma_wait3A_315] : memref<1280x32xf32, #tpu.memory_space<vmem>> -> memref<128x32xf32, #tpu.memory_space<vmem>>
      %dma_wait3A_317 = tpu.memref_slice %arg10[%add3A_135] : memref<5120xi32, #tpu.memory_space<vmem>> -> memref<128xi32, #tpu.memory_space<vmem>>
      %dma_wait3A_318 = arith.constant 0 : i32
      %dma_wait3A_319 = arith.constant 0 : i32
      %dma_wait3A_320 = tpu.memref_slice %arg2[%dma_wait3A_318, %dma_wait3A_319] : memref<400000x32xf32, #tpu.memory_space<hbm>> -> memref<400000x32xf32, #tpu.memory_space<hbm>>
      tpu.wait_indirect_dma semaphore(%arg13 : memref<!tpu.dma_semaphore, #tpu.memory_space<semaphore_mem>>) src(%dma_wait3A_320 : memref<400000x32xf32, #tpu.memory_space<hbm>>) dst(%dma_wait3A_316 : memref<128x32xf32, #tpu.memory_space<vmem>>)
      %dma_wait3A_321 = arith.constant 128 : i32
      %dma_wait3A_322 = arith.constant 0 : i32
      %dma_wait3A_323 = tpu.memref_slice %arg11[%dma_wait3A_321, %dma_wait3A_322] : memref<1280x32xf32, #tpu.memory_space<vmem>> -> memref<128x32xf32, #tpu.memory_space<vmem>>
      %dma_wait3A_324 = tpu.memref_slice %arg10[%add3A_144] : memref<5120xi32, #tpu.memory_space<vmem>> -> memref<128xi32, #tpu.memory_space<vmem>>
      %dma_wait3A_325 = arith.constant 0 : i32
      %dma_wait3A_326 = arith.constant 0 : i32
      %dma_wait3A_327 = tpu.memref_slice %arg2[%dma_wait3A_325, %dma_wait3A_326] : memref<400000x32xf32, #tpu.memory_space<hbm>> -> memref<400000x32xf32, #tpu.memory_space<hbm>>
      tpu.wait_indirect_dma semaphore(%arg13 : memref<!tpu.dma_semaphore, #tpu.memory_space<semaphore_mem>>) src(%dma_wait3A_327 : memref<400000x32xf32, #tpu.memory_space<hbm>>) dst(%dma_wait3A_323 : memref<128x32xf32, #tpu.memory_space<vmem>>)
      %dma_wait3A_328 = arith.constant 256 : i32
      %dma_wait3A_329 = arith.constant 0 : i32
      %dma_wait3A_330 = tpu.memref_slice %arg11[%dma_wait3A_328, %dma_wait3A_329] : memref<1280x32xf32, #tpu.memory_space<vmem>> -> memref<128x32xf32, #tpu.memory_space<vmem>>
      %dma_wait3A_331 = tpu.memref_slice %arg10[%add3A_153] : memref<5120xi32, #tpu.memory_space<vmem>> -> memref<128xi32, #tpu.memory_space<vmem>>
      %dma_wait3A_332 = arith.constant 0 : i32
      %dma_wait3A_333 = arith.constant 0 : i32
      %dma_wait3A_334 = tpu.memref_slice %arg2[%dma_wait3A_332, %dma_wait3A_333] : memref<400000x32xf32, #tpu.memory_space<hbm>> -> memref<400000x32xf32, #tpu.memory_space<hbm>>
      tpu.wait_indirect_dma semaphore(%arg13 : memref<!tpu.dma_semaphore, #tpu.memory_space<semaphore_mem>>) src(%dma_wait3A_334 : memref<400000x32xf32, #tpu.memory_space<hbm>>) dst(%dma_wait3A_330 : memref<128x32xf32, #tpu.memory_space<vmem>>)
      %dma_wait3A_335 = arith.constant 384 : i32
      %dma_wait3A_336 = arith.constant 0 : i32
      %dma_wait3A_337 = tpu.memref_slice %arg11[%dma_wait3A_335, %dma_wait3A_336] : memref<1280x32xf32, #tpu.memory_space<vmem>> -> memref<128x32xf32, #tpu.memory_space<vmem>>
      %dma_wait3A_338 = tpu.memref_slice %arg10[%add3A_162] : memref<5120xi32, #tpu.memory_space<vmem>> -> memref<128xi32, #tpu.memory_space<vmem>>
      %dma_wait3A_339 = arith.constant 0 : i32
      %dma_wait3A_340 = arith.constant 0 : i32
      %dma_wait3A_341 = tpu.memref_slice %arg2[%dma_wait3A_339, %dma_wait3A_340] : memref<400000x32xf32, #tpu.memory_space<hbm>> -> memref<400000x32xf32, #tpu.memory_space<hbm>>
      tpu.wait_indirect_dma semaphore(%arg13 : memref<!tpu.dma_semaphore, #tpu.memory_space<semaphore_mem>>) src(%dma_wait3A_341 : memref<400000x32xf32, #tpu.memory_space<hbm>>) dst(%dma_wait3A_337 : memref<128x32xf32, #tpu.memory_space<vmem>>)
      %dma_wait3A_342 = arith.constant 512 : i32
      %dma_wait3A_343 = arith.constant 0 : i32
      %dma_wait3A_344 = tpu.memref_slice %arg11[%dma_wait3A_342, %dma_wait3A_343] : memref<1280x32xf32, #tpu.memory_space<vmem>> -> memref<128x32xf32, #tpu.memory_space<vmem>>
      %dma_wait3A_345 = tpu.memref_slice %arg10[%add3A_171] : memref<5120xi32, #tpu.memory_space<vmem>> -> memref<128xi32, #tpu.memory_space<vmem>>
      %dma_wait3A_346 = arith.constant 0 : i32
      %dma_wait3A_347 = arith.constant 0 : i32
      %dma_wait3A_348 = tpu.memref_slice %arg2[%dma_wait3A_346, %dma_wait3A_347] : memref<400000x32xf32, #tpu.memory_space<hbm>> -> memref<400000x32xf32, #tpu.memory_space<hbm>>
      tpu.wait_indirect_dma semaphore(%arg13 : memref<!tpu.dma_semaphore, #tpu.memory_space<semaphore_mem>>) src(%dma_wait3A_348 : memref<400000x32xf32, #tpu.memory_space<hbm>>) dst(%dma_wait3A_344 : memref<128x32xf32, #tpu.memory_space<vmem>>)
      %dma_wait3A_349 = arith.constant 640 : i32
      %dma_wait3A_350 = arith.constant 0 : i32
      %dma_wait3A_351 = tpu.memref_slice %arg11[%dma_wait3A_349, %dma_wait3A_350] : memref<1280x32xf32, #tpu.memory_space<vmem>> -> memref<128x32xf32, #tpu.memory_space<vmem>>
      %dma_wait3A_352 = tpu.memref_slice %arg10[%add3A_180] : memref<5120xi32, #tpu.memory_space<vmem>> -> memref<128xi32, #tpu.memory_space<vmem>>
      %dma_wait3A_353 = arith.constant 0 : i32
      %dma_wait3A_354 = arith.constant 0 : i32
      %dma_wait3A_355 = tpu.memref_slice %arg2[%dma_wait3A_353, %dma_wait3A_354] : memref<400000x32xf32, #tpu.memory_space<hbm>> -> memref<400000x32xf32, #tpu.memory_space<hbm>>
      tpu.wait_indirect_dma semaphore(%arg13 : memref<!tpu.dma_semaphore, #tpu.memory_space<semaphore_mem>>) src(%dma_wait3A_355 : memref<400000x32xf32, #tpu.memory_space<hbm>>) dst(%dma_wait3A_351 : memref<128x32xf32, #tpu.memory_space<vmem>>)
      %dma_wait3A_356 = arith.constant 768 : i32
      %dma_wait3A_357 = arith.constant 0 : i32
      %dma_wait3A_358 = tpu.memref_slice %arg11[%dma_wait3A_356, %dma_wait3A_357] : memref<1280x32xf32, #tpu.memory_space<vmem>> -> memref<128x32xf32, #tpu.memory_space<vmem>>
      %dma_wait3A_359 = tpu.memref_slice %arg10[%add3A_189] : memref<5120xi32, #tpu.memory_space<vmem>> -> memref<128xi32, #tpu.memory_space<vmem>>
      %dma_wait3A_360 = arith.constant 0 : i32
      %dma_wait3A_361 = arith.constant 0 : i32
      %dma_wait3A_362 = tpu.memref_slice %arg2[%dma_wait3A_360, %dma_wait3A_361] : memref<400000x32xf32, #tpu.memory_space<hbm>> -> memref<400000x32xf32, #tpu.memory_space<hbm>>
      tpu.wait_indirect_dma semaphore(%arg13 : memref<!tpu.dma_semaphore, #tpu.memory_space<semaphore_mem>>) src(%dma_wait3A_362 : memref<400000x32xf32, #tpu.memory_space<hbm>>) dst(%dma_wait3A_358 : memref<128x32xf32, #tpu.memory_space<vmem>>)
      %dma_wait3A_363 = arith.constant 896 : i32
      %dma_wait3A_364 = arith.constant 0 : i32
      %dma_wait3A_365 = tpu.memref_slice %arg11[%dma_wait3A_363, %dma_wait3A_364] : memref<1280x32xf32, #tpu.memory_space<vmem>> -> memref<128x32xf32, #tpu.memory_space<vmem>>
      %dma_wait3A_366 = tpu.memref_slice %arg10[%add3A_198] : memref<5120xi32, #tpu.memory_space<vmem>> -> memref<128xi32, #tpu.memory_space<vmem>>
      %dma_wait3A_367 = arith.constant 0 : i32
      %dma_wait3A_368 = arith.constant 0 : i32
      %dma_wait3A_369 = tpu.memref_slice %arg2[%dma_wait3A_367, %dma_wait3A_368] : memref<400000x32xf32, #tpu.memory_space<hbm>> -> memref<400000x32xf32, #tpu.memory_space<hbm>>
      tpu.wait_indirect_dma semaphore(%arg13 : memref<!tpu.dma_semaphore, #tpu.memory_space<semaphore_mem>>) src(%dma_wait3A_369 : memref<400000x32xf32, #tpu.memory_space<hbm>>) dst(%dma_wait3A_365 : memref<128x32xf32, #tpu.memory_space<vmem>>)
      %dma_wait3A_370 = arith.constant 1024 : i32
      %dma_wait3A_371 = arith.constant 0 : i32
      %dma_wait3A_372 = tpu.memref_slice %arg11[%dma_wait3A_370, %dma_wait3A_371] : memref<1280x32xf32, #tpu.memory_space<vmem>> -> memref<128x32xf32, #tpu.memory_space<vmem>>
      %dma_wait3A_373 = tpu.memref_slice %arg10[%add3A_207] : memref<5120xi32, #tpu.memory_space<vmem>> -> memref<128xi32, #tpu.memory_space<vmem>>
      %dma_wait3A_374 = arith.constant 0 : i32
      %dma_wait3A_375 = arith.constant 0 : i32
      %dma_wait3A_376 = tpu.memref_slice %arg2[%dma_wait3A_374, %dma_wait3A_375] : memref<400000x32xf32, #tpu.memory_space<hbm>> -> memref<400000x32xf32, #tpu.memory_space<hbm>>
      tpu.wait_indirect_dma semaphore(%arg13 : memref<!tpu.dma_semaphore, #tpu.memory_space<semaphore_mem>>) src(%dma_wait3A_376 : memref<400000x32xf32, #tpu.memory_space<hbm>>) dst(%dma_wait3A_372 : memref<128x32xf32, #tpu.memory_space<vmem>>)
      %dma_wait3A_377 = arith.constant 1152 : i32
      %dma_wait3A_378 = arith.constant 0 : i32
      %dma_wait3A_379 = tpu.memref_slice %arg11[%dma_wait3A_377, %dma_wait3A_378] : memref<1280x32xf32, #tpu.memory_space<vmem>> -> memref<128x32xf32, #tpu.memory_space<vmem>>
      %dma_wait3A_380 = tpu.memref_slice %arg10[%add3A_216] : memref<5120xi32, #tpu.memory_space<vmem>> -> memref<128xi32, #tpu.memory_space<vmem>>
      %dma_wait3A_381 = arith.constant 0 : i32
      %dma_wait3A_382 = arith.constant 0 : i32
      %dma_wait3A_383 = tpu.memref_slice %arg2[%dma_wait3A_381, %dma_wait3A_382] : memref<400000x32xf32, #tpu.memory_space<hbm>> -> memref<400000x32xf32, #tpu.memory_space<hbm>>
      tpu.wait_indirect_dma semaphore(%arg13 : memref<!tpu.dma_semaphore, #tpu.memory_space<semaphore_mem>>) src(%dma_wait3A_383 : memref<400000x32xf32, #tpu.memory_space<hbm>>) dst(%dma_wait3A_379 : memref<128x32xf32, #tpu.memory_space<vmem>>)
      %add3A_384 = arith.addi %multiple_of3A_5, %multiple_of3A_131 : i32
      "tpu.region"() ({
        %run_scoped3A = tpu.sem_alloc : memref<!tpu.dma_semaphore, #tpu.memory_space<semaphore_mem>>
        %dma_start3A_456 = arith.constant 0 : i32
        %dma_start3A_457 = tpu.memref_slice %arg7[%add3A_384, %dma_start3A_456] : memref<163840x32xf32, #tpu.memory_space<hbm>> -> memref<1280x32xf32, #tpu.memory_space<hbm>>
        %dma_start3A_458 = arith.constant 0 : i32
        %dma_start3A_459 = tpu.memref_slice %arg7[%add3A_384, %dma_start3A_458] : memref<163840x32xf32, #tpu.memory_space<hbm>> -> memref<1280x32xf32, #tpu.memory_space<hbm>>
        tpu.enqueue_dma source(%arg11 : memref<1280x32xf32, #tpu.memory_space<vmem>>) target(%dma_start3A_459 : memref<1280x32xf32, #tpu.memory_space<hbm>>) target_semaphore(%run_scoped3A : memref<!tpu.dma_semaphore, #tpu.memory_space<semaphore_mem>>)
        %dma_wait3A_460 = arith.constant 0 : i32
        %dma_wait3A_461 = tpu.memref_slice %arg7[%add3A_384, %dma_wait3A_460] : memref<163840x32xf32, #tpu.memory_space<hbm>> -> memref<1280x32xf32, #tpu.memory_space<hbm>>
        %dma_wait3A_462 = arith.constant 0 : i32
        %dma_wait3A_463 = tpu.memref_slice %arg7[%add3A_384, %dma_wait3A_462] : memref<163840x32xf32, #tpu.memory_space<hbm>> -> memref<1280x32xf32, #tpu.memory_space<hbm>>
        tpu.wait_dma2 semaphore(%run_scoped3A : memref<!tpu.dma_semaphore, #tpu.memory_space<semaphore_mem>>) src(%arg11 : memref<1280x32xf32, #tpu.memory_space<vmem>>) dst(%dma_wait3A_463 : memref<1280x32xf32, #tpu.memory_space<hbm>>)
        tpu.yield
      }) : () -> ()
      %dma_wait3A_385 = arith.constant 0 : i32
      %dma_wait3A_386 = arith.constant 0 : i32
      %dma_wait3A_387 = tpu.memref_slice %arg12[%dma_wait3A_385, %dma_wait3A_386] : memref<1280x32xf32, #tpu.memory_space<vmem>> -> memref<128x32xf32, #tpu.memory_space<vmem>>
      %dma_wait3A_388 = tpu.memref_slice %arg10[%add3A_225] : memref<5120xi32, #tpu.memory_space<vmem>> -> memref<128xi32, #tpu.memory_space<vmem>>
      %dma_wait3A_389 = arith.constant 0 : i32
      %dma_wait3A_390 = arith.constant 0 : i32
      %dma_wait3A_391 = tpu.memref_slice %arg2[%dma_wait3A_389, %dma_wait3A_390] : memref<400000x32xf32, #tpu.memory_space<hbm>> -> memref<400000x32xf32, #tpu.memory_space<hbm>>
      tpu.wait_indirect_dma semaphore(%arg14 : memref<!tpu.dma_semaphore, #tpu.memory_space<semaphore_mem>>) src(%dma_wait3A_391 : memref<400000x32xf32, #tpu.memory_space<hbm>>) dst(%dma_wait3A_387 : memref<128x32xf32, #tpu.memory_space<vmem>>)
      %dma_wait3A_392 = arith.constant 128 : i32
      %dma_wait3A_393 = arith.constant 0 : i32
      %dma_wait3A_394 = tpu.memref_slice %arg12[%dma_wait3A_392, %dma_wait3A_393] : memref<1280x32xf32, #tpu.memory_space<vmem>> -> memref<128x32xf32, #tpu.memory_space<vmem>>
      %dma_wait3A_395 = tpu.memref_slice %arg10[%add3A_234] : memref<5120xi32, #tpu.memory_space<vmem>> -> memref<128xi32, #tpu.memory_space<vmem>>
      %dma_wait3A_396 = arith.constant 0 : i32
      %dma_wait3A_397 = arith.constant 0 : i32
      %dma_wait3A_398 = tpu.memref_slice %arg2[%dma_wait3A_396, %dma_wait3A_397] : memref<400000x32xf32, #tpu.memory_space<hbm>> -> memref<400000x32xf32, #tpu.memory_space<hbm>>
      tpu.wait_indirect_dma semaphore(%arg14 : memref<!tpu.dma_semaphore, #tpu.memory_space<semaphore_mem>>) src(%dma_wait3A_398 : memref<400000x32xf32, #tpu.memory_space<hbm>>) dst(%dma_wait3A_394 : memref<128x32xf32, #tpu.memory_space<vmem>>)
      %dma_wait3A_399 = arith.constant 256 : i32
      %dma_wait3A_400 = arith.constant 0 : i32
      %dma_wait3A_401 = tpu.memref_slice %arg12[%dma_wait3A_399, %dma_wait3A_400] : memref<1280x32xf32, #tpu.memory_space<vmem>> -> memref<128x32xf32, #tpu.memory_space<vmem>>
      %dma_wait3A_402 = tpu.memref_slice %arg10[%add3A_243] : memref<5120xi32, #tpu.memory_space<vmem>> -> memref<128xi32, #tpu.memory_space<vmem>>
      %dma_wait3A_403 = arith.constant 0 : i32
      %dma_wait3A_404 = arith.constant 0 : i32
      %dma_wait3A_405 = tpu.memref_slice %arg2[%dma_wait3A_403, %dma_wait3A_404] : memref<400000x32xf32, #tpu.memory_space<hbm>> -> memref<400000x32xf32, #tpu.memory_space<hbm>>
      tpu.wait_indirect_dma semaphore(%arg14 : memref<!tpu.dma_semaphore, #tpu.memory_space<semaphore_mem>>) src(%dma_wait3A_405 : memref<400000x32xf32, #tpu.memory_space<hbm>>) dst(%dma_wait3A_401 : memref<128x32xf32, #tpu.memory_space<vmem>>)
      %dma_wait3A_406 = arith.constant 384 : i32
      %dma_wait3A_407 = arith.constant 0 : i32
      %dma_wait3A_408 = tpu.memref_slice %arg12[%dma_wait3A_406, %dma_wait3A_407] : memref<1280x32xf32, #tpu.memory_space<vmem>> -> memref<128x32xf32, #tpu.memory_space<vmem>>
      %dma_wait3A_409 = tpu.memref_slice %arg10[%add3A_252] : memref<5120xi32, #tpu.memory_space<vmem>> -> memref<128xi32, #tpu.memory_space<vmem>>
      %dma_wait3A_410 = arith.constant 0 : i32
      %dma_wait3A_411 = arith.constant 0 : i32
      %dma_wait3A_412 = tpu.memref_slice %arg2[%dma_wait3A_410, %dma_wait3A_411] : memref<400000x32xf32, #tpu.memory_space<hbm>> -> memref<400000x32xf32, #tpu.memory_space<hbm>>
      tpu.wait_indirect_dma semaphore(%arg14 : memref<!tpu.dma_semaphore, #tpu.memory_space<semaphore_mem>>) src(%dma_wait3A_412 : memref<400000x32xf32, #tpu.memory_space<hbm>>) dst(%dma_wait3A_408 : memref<128x32xf32, #tpu.memory_space<vmem>>)
      %dma_wait3A_413 = arith.constant 512 : i32
      %dma_wait3A_414 = arith.constant 0 : i32
      %dma_wait3A_415 = tpu.memref_slice %arg12[%dma_wait3A_413, %dma_wait3A_414] : memref<1280x32xf32, #tpu.memory_space<vmem>> -> memref<128x32xf32, #tpu.memory_space<vmem>>
      %dma_wait3A_416 = tpu.memref_slice %arg10[%add3A_261] : memref<5120xi32, #tpu.memory_space<vmem>> -> memref<128xi32, #tpu.memory_space<vmem>>
      %dma_wait3A_417 = arith.constant 0 : i32
      %dma_wait3A_418 = arith.constant 0 : i32
      %dma_wait3A_419 = tpu.memref_slice %arg2[%dma_wait3A_417, %dma_wait3A_418] : memref<400000x32xf32, #tpu.memory_space<hbm>> -> memref<400000x32xf32, #tpu.memory_space<hbm>>
      tpu.wait_indirect_dma semaphore(%arg14 : memref<!tpu.dma_semaphore, #tpu.memory_space<semaphore_mem>>) src(%dma_wait3A_419 : memref<400000x32xf32, #tpu.memory_space<hbm>>) dst(%dma_wait3A_415 : memref<128x32xf32, #tpu.memory_space<vmem>>)
      %dma_wait3A_420 = arith.constant 640 : i32
      %dma_wait3A_421 = arith.constant 0 : i32
      %dma_wait3A_422 = tpu.memref_slice %arg12[%dma_wait3A_420, %dma_wait3A_421] : memref<1280x32xf32, #tpu.memory_space<vmem>> -> memref<128x32xf32, #tpu.memory_space<vmem>>
      %dma_wait3A_423 = tpu.memref_slice %arg10[%add3A_270] : memref<5120xi32, #tpu.memory_space<vmem>> -> memref<128xi32, #tpu.memory_space<vmem>>
      %dma_wait3A_424 = arith.constant 0 : i32
      %dma_wait3A_425 = arith.constant 0 : i32
      %dma_wait3A_426 = tpu.memref_slice %arg2[%dma_wait3A_424, %dma_wait3A_425] : memref<400000x32xf32, #tpu.memory_space<hbm>> -> memref<400000x32xf32, #tpu.memory_space<hbm>>
      tpu.wait_indirect_dma semaphore(%arg14 : memref<!tpu.dma_semaphore, #tpu.memory_space<semaphore_mem>>) src(%dma_wait3A_426 : memref<400000x32xf32, #tpu.memory_space<hbm>>) dst(%dma_wait3A_422 : memref<128x32xf32, #tpu.memory_space<vmem>>)
      %dma_wait3A_427 = arith.constant 768 : i32
      %dma_wait3A_428 = arith.constant 0 : i32
      %dma_wait3A_429 = tpu.memref_slice %arg12[%dma_wait3A_427, %dma_wait3A_428] : memref<1280x32xf32, #tpu.memory_space<vmem>> -> memref<128x32xf32, #tpu.memory_space<vmem>>
      %dma_wait3A_430 = tpu.memref_slice %arg10[%add3A_279] : memref<5120xi32, #tpu.memory_space<vmem>> -> memref<128xi32, #tpu.memory_space<vmem>>
      %dma_wait3A_431 = arith.constant 0 : i32
      %dma_wait3A_432 = arith.constant 0 : i32
      %dma_wait3A_433 = tpu.memref_slice %arg2[%dma_wait3A_431, %dma_wait3A_432] : memref<400000x32xf32, #tpu.memory_space<hbm>> -> memref<400000x32xf32, #tpu.memory_space<hbm>>
      tpu.wait_indirect_dma semaphore(%arg14 : memref<!tpu.dma_semaphore, #tpu.memory_space<semaphore_mem>>) src(%dma_wait3A_433 : memref<400000x32xf32, #tpu.memory_space<hbm>>) dst(%dma_wait3A_429 : memref<128x32xf32, #tpu.memory_space<vmem>>)
      %dma_wait3A_434 = arith.constant 896 : i32
      %dma_wait3A_435 = arith.constant 0 : i32
      %dma_wait3A_436 = tpu.memref_slice %arg12[%dma_wait3A_434, %dma_wait3A_435] : memref<1280x32xf32, #tpu.memory_space<vmem>> -> memref<128x32xf32, #tpu.memory_space<vmem>>
      %dma_wait3A_437 = tpu.memref_slice %arg10[%add3A_288] : memref<5120xi32, #tpu.memory_space<vmem>> -> memref<128xi32, #tpu.memory_space<vmem>>
      %dma_wait3A_438 = arith.constant 0 : i32
      %dma_wait3A_439 = arith.constant 0 : i32
      %dma_wait3A_440 = tpu.memref_slice %arg2[%dma_wait3A_438, %dma_wait3A_439] : memref<400000x32xf32, #tpu.memory_space<hbm>> -> memref<400000x32xf32, #tpu.memory_space<hbm>>
      tpu.wait_indirect_dma semaphore(%arg14 : memref<!tpu.dma_semaphore, #tpu.memory_space<semaphore_mem>>) src(%dma_wait3A_440 : memref<400000x32xf32, #tpu.memory_space<hbm>>) dst(%dma_wait3A_436 : memref<128x32xf32, #tpu.memory_space<vmem>>)
      %dma_wait3A_441 = arith.constant 1024 : i32
      %dma_wait3A_442 = arith.constant 0 : i32
      %dma_wait3A_443 = tpu.memref_slice %arg12[%dma_wait3A_441, %dma_wait3A_442] : memref<1280x32xf32, #tpu.memory_space<vmem>> -> memref<128x32xf32, #tpu.memory_space<vmem>>
      %dma_wait3A_444 = tpu.memref_slice %arg10[%add3A_297] : memref<5120xi32, #tpu.memory_space<vmem>> -> memref<128xi32, #tpu.memory_space<vmem>>
      %dma_wait3A_445 = arith.constant 0 : i32
      %dma_wait3A_446 = arith.constant 0 : i32
      %dma_wait3A_447 = tpu.memref_slice %arg2[%dma_wait3A_445, %dma_wait3A_446] : memref<400000x32xf32, #tpu.memory_space<hbm>> -> memref<400000x32xf32, #tpu.memory_space<hbm>>
      tpu.wait_indirect_dma semaphore(%arg14 : memref<!tpu.dma_semaphore, #tpu.memory_space<semaphore_mem>>) src(%dma_wait3A_447 : memref<400000x32xf32, #tpu.memory_space<hbm>>) dst(%dma_wait3A_443 : memref<128x32xf32, #tpu.memory_space<vmem>>)
      %dma_wait3A_448 = arith.constant 1152 : i32
      %dma_wait3A_449 = arith.constant 0 : i32
      %dma_wait3A_450 = tpu.memref_slice %arg12[%dma_wait3A_448, %dma_wait3A_449] : memref<1280x32xf32, #tpu.memory_space<vmem>> -> memref<128x32xf32, #tpu.memory_space<vmem>>
      %dma_wait3A_451 = tpu.memref_slice %arg10[%add3A_306] : memref<5120xi32, #tpu.memory_space<vmem>> -> memref<128xi32, #tpu.memory_space<vmem>>
      %dma_wait3A_452 = arith.constant 0 : i32
      %dma_wait3A_453 = arith.constant 0 : i32
      %dma_wait3A_454 = tpu.memref_slice %arg2[%dma_wait3A_452, %dma_wait3A_453] : memref<400000x32xf32, #tpu.memory_space<hbm>> -> memref<400000x32xf32, #tpu.memory_space<hbm>>
      tpu.wait_indirect_dma semaphore(%arg14 : memref<!tpu.dma_semaphore, #tpu.memory_space<semaphore_mem>>) src(%dma_wait3A_454 : memref<400000x32xf32, #tpu.memory_space<hbm>>) dst(%dma_wait3A_450 : memref<128x32xf32, #tpu.memory_space<vmem>>)
      %add3A_455 = arith.addi %multiple_of3A_5, %add3A_133 : i32
      "tpu.region"() ({
        %run_scoped3A = tpu.sem_alloc : memref<!tpu.dma_semaphore, #tpu.memory_space<semaphore_mem>>
        %dma_start3A_456 = arith.constant 0 : i32
        %dma_start3A_457 = tpu.memref_slice %arg7[%add3A_455, %dma_start3A_456] : memref<163840x32xf32, #tpu.memory_space<hbm>> -> memref<1280x32xf32, #tpu.memory_space<hbm>>
        %dma_start3A_458 = arith.constant 0 : i32
        %dma_start3A_459 = tpu.memref_slice %arg7[%add3A_455, %dma_start3A_458] : memref<163840x32xf32, #tpu.memory_space<hbm>> -> memref<1280x32xf32, #tpu.memory_space<hbm>>
        tpu.enqueue_dma source(%arg12 : memref<1280x32xf32, #tpu.memory_space<vmem>>) target(%dma_start3A_459 : memref<1280x32xf32, #tpu.memory_space<hbm>>) target_semaphore(%run_scoped3A : memref<!tpu.dma_semaphore, #tpu.memory_space<semaphore_mem>>)
        %dma_wait3A_460 = arith.constant 0 : i32
        %dma_wait3A_461 = tpu.memref_slice %arg7[%add3A_455, %dma_wait3A_460] : memref<163840x32xf32, #tpu.memory_space<hbm>> -> memref<1280x32xf32, #tpu.memory_space<hbm>>
        %dma_wait3A_462 = arith.constant 0 : i32
        %dma_wait3A_463 = tpu.memref_slice %arg7[%add3A_455, %dma_wait3A_462] : memref<163840x32xf32, #tpu.memory_space<hbm>> -> memref<1280x32xf32, #tpu.memory_space<hbm>>
        tpu.wait_dma2 semaphore(%run_scoped3A : memref<!tpu.dma_semaphore, #tpu.memory_space<semaphore_mem>>) src(%arg12 : memref<1280x32xf32, #tpu.memory_space<vmem>>) dst(%dma_wait3A_463 : memref<1280x32xf32, #tpu.memory_space<hbm>>)
        tpu.yield
      }) : () -> ()
    }
    %scan3A_121 = arith.constant 2 : i32
    "tpu.region"() ({
      %run_scoped3A = tpu.sem_alloc : memref<!tpu.dma_semaphore, #tpu.memory_space<semaphore_mem>>
      %dma_start3A_128 = tpu.memref_slice %arg5[%select_n3A, %multiple_of3A_38] : memref<16x10240xi32, #tpu.memory_space<hbm>> -> memref<1x5120xi32, #tpu.memory_space<hbm>>
      %dma_start3A_129 = tpu.memref_squeeze %dma_start3A_128 : memref<1x5120xi32, #tpu.memory_space<hbm>> -> memref<5120xi32, #tpu.memory_space<hbm>>
      %dma_start3A_130 = tpu.memref_slice %arg5[%select_n3A, %multiple_of3A_38] : memref<16x10240xi32, #tpu.memory_space<hbm>> -> memref<1x5120xi32, #tpu.memory_space<hbm>>
      %dma_start3A_131 = tpu.memref_squeeze %dma_start3A_130 : memref<1x5120xi32, #tpu.memory_space<hbm>> -> memref<5120xi32, #tpu.memory_space<hbm>>
      tpu.enqueue_dma source(%dma_start3A_131 : memref<5120xi32, #tpu.memory_space<hbm>>) target(%arg10 : memref<5120xi32, #tpu.memory_space<vmem>>) target_semaphore(%run_scoped3A : memref<!tpu.dma_semaphore, #tpu.memory_space<semaphore_mem>>)
      %dma_wait3A_132 = tpu.memref_slice %arg5[%select_n3A, %multiple_of3A_38] : memref<16x10240xi32, #tpu.memory_space<hbm>> -> memref<1x5120xi32, #tpu.memory_space<hbm>>
      %dma_wait3A_133 = tpu.memref_squeeze %dma_wait3A_132 : memref<1x5120xi32, #tpu.memory_space<hbm>> -> memref<5120xi32, #tpu.memory_space<hbm>>
      %dma_wait3A_134 = tpu.memref_slice %arg5[%select_n3A, %multiple_of3A_38] : memref<16x10240xi32, #tpu.memory_space<hbm>> -> memref<1x5120xi32, #tpu.memory_space<hbm>>
      %dma_wait3A_135 = tpu.memref_squeeze %dma_wait3A_134 : memref<1x5120xi32, #tpu.memory_space<hbm>> -> memref<5120xi32, #tpu.memory_space<hbm>>
      tpu.wait_dma2 semaphore(%run_scoped3A : memref<!tpu.dma_semaphore, #tpu.memory_space<semaphore_mem>>) src(%dma_wait3A_135 : memref<5120xi32, #tpu.memory_space<hbm>>) dst(%arg10 : memref<5120xi32, #tpu.memory_space<vmem>>)
      tpu.yield
    }) : () -> ()
    %scan3A_122 = arith.constant 0 : i32
    %scan3A_123 = arith.constant 0 : i32
    %scan3A_124 = arith.constant 2 : i32
    %scan3A_125 = arith.addi %scan3A_123, %scan3A_124 : i32
    %scan3A_126 = arith.constant 1 : i32
    scf.for %scan3A_128 = %scan3A_123 to %scan3A_125 step %scan3A_126  : i32 {
      %mul3A_129 = arith.constant 2560 : i32
      %mul3A_130 = arith.muli %scan3A_128, %mul3A_129 : i32
      %multiple_of3A_131 = tpu.assume_multiple %mul3A_130, 2560 : i32
      %add3A_132 = arith.constant 1280 : i32
      %add3A_133 = arith.addi %multiple_of3A_131, %add3A_132 : i32
      %add3A_134 = arith.constant 0 : i32
      %add3A_135 = arith.addi %multiple_of3A_131, %add3A_134 : i32
      %dma_start3A_136 = arith.constant 0 : i32
      %dma_start3A_137 = arith.constant 0 : i32
      %dma_start3A_138 = tpu.memref_slice %arg11[%dma_start3A_136, %dma_start3A_137] : memref<1280x32xf32, #tpu.memory_space<vmem>> -> memref<128x32xf32, #tpu.memory_space<vmem>>
      %dma_start3A_139 = tpu.memref_slice %arg10[%add3A_135] : memref<5120xi32, #tpu.memory_space<vmem>> -> memref<128xi32, #tpu.memory_space<vmem>>
      %dma_start3A_140 = arith.constant 0 : i32
      %dma_start3A_141 = arith.constant 0 : i32
      %dma_start3A_142 = tpu.memref_slice %arg2[%dma_start3A_140, %dma_start3A_141] : memref<400000x32xf32, #tpu.memory_space<hbm>> -> memref<400000x32xf32, #tpu.memory_space<hbm>>
      tpu.enqueue_indirect_dma source(%dma_start3A_142 : memref<400000x32xf32, #tpu.memory_space<hbm>>) target(%dma_start3A_138 : memref<128x32xf32, #tpu.memory_space<vmem>>) offsets(%dma_start3A_139 : memref<128xi32, #tpu.memory_space<vmem>>) semaphore(%arg13 : memref<!tpu.dma_semaphore, #tpu.memory_space<semaphore_mem>>)
      %add3A_143 = arith.constant 128 : i32
      %add3A_144 = arith.addi %multiple_of3A_131, %add3A_143 : i32
      %dma_start3A_145 = arith.constant 128 : i32
      %dma_start3A_146 = arith.constant 0 : i32
      %dma_start3A_147 = tpu.memref_slice %arg11[%dma_start3A_145, %dma_start3A_146] : memref<1280x32xf32, #tpu.memory_space<vmem>> -> memref<128x32xf32, #tpu.memory_space<vmem>>
      %dma_start3A_148 = tpu.memref_slice %arg10[%add3A_144] : memref<5120xi32, #tpu.memory_space<vmem>> -> memref<128xi32, #tpu.memory_space<vmem>>
      %dma_start3A_149 = arith.constant 0 : i32
      %dma_start3A_150 = arith.constant 0 : i32
      %dma_start3A_151 = tpu.memref_slice %arg2[%dma_start3A_149, %dma_start3A_150] : memref<400000x32xf32, #tpu.memory_space<hbm>> -> memref<400000x32xf32, #tpu.memory_space<hbm>>
      tpu.enqueue_indirect_dma source(%dma_start3A_151 : memref<400000x32xf32, #tpu.memory_space<hbm>>) target(%dma_start3A_147 : memref<128x32xf32, #tpu.memory_space<vmem>>) offsets(%dma_start3A_148 : memref<128xi32, #tpu.memory_space<vmem>>) semaphore(%arg13 : memref<!tpu.dma_semaphore, #tpu.memory_space<semaphore_mem>>)
      %add3A_152 = arith.constant 256 : i32
      %add3A_153 = arith.addi %multiple_of3A_131, %add3A_152 : i32
      %dma_start3A_154 = arith.constant 256 : i32
      %dma_start3A_155 = arith.constant 0 : i32
      %dma_start3A_156 = tpu.memref_slice %arg11[%dma_start3A_154, %dma_start3A_155] : memref<1280x32xf32, #tpu.memory_space<vmem>> -> memref<128x32xf32, #tpu.memory_space<vmem>>
      %dma_start3A_157 = tpu.memref_slice %arg10[%add3A_153] : memref<5120xi32, #tpu.memory_space<vmem>> -> memref<128xi32, #tpu.memory_space<vmem>>
      %dma_start3A_158 = arith.constant 0 : i32
      %dma_start3A_159 = arith.constant 0 : i32
      %dma_start3A_160 = tpu.memref_slice %arg2[%dma_start3A_158, %dma_start3A_159] : memref<400000x32xf32, #tpu.memory_space<hbm>> -> memref<400000x32xf32, #tpu.memory_space<hbm>>
      tpu.enqueue_indirect_dma source(%dma_start3A_160 : memref<400000x32xf32, #tpu.memory_space<hbm>>) target(%dma_start3A_156 : memref<128x32xf32, #tpu.memory_space<vmem>>) offsets(%dma_start3A_157 : memref<128xi32, #tpu.memory_space<vmem>>) semaphore(%arg13 : memref<!tpu.dma_semaphore, #tpu.memory_space<semaphore_mem>>)
      %add3A_161 = arith.constant 384 : i32
      %add3A_162 = arith.addi %multiple_of3A_131, %add3A_161 : i32
      %dma_start3A_163 = arith.constant 384 : i32
      %dma_start3A_164 = arith.constant 0 : i32
      %dma_start3A_165 = tpu.memref_slice %arg11[%dma_start3A_163, %dma_start3A_164] : memref<1280x32xf32, #tpu.memory_space<vmem>> -> memref<128x32xf32, #tpu.memory_space<vmem>>
      %dma_start3A_166 = tpu.memref_slice %arg10[%add3A_162] : memref<5120xi32, #tpu.memory_space<vmem>> -> memref<128xi32, #tpu.memory_space<vmem>>
      %dma_start3A_167 = arith.constant 0 : i32
      %dma_start3A_168 = arith.constant 0 : i32
      %dma_start3A_169 = tpu.memref_slice %arg2[%dma_start3A_167, %dma_start3A_168] : memref<400000x32xf32, #tpu.memory_space<hbm>> -> memref<400000x32xf32, #tpu.memory_space<hbm>>
      tpu.enqueue_indirect_dma source(%dma_start3A_169 : memref<400000x32xf32, #tpu.memory_space<hbm>>) target(%dma_start3A_165 : memref<128x32xf32, #tpu.memory_space<vmem>>) offsets(%dma_start3A_166 : memref<128xi32, #tpu.memory_space<vmem>>) semaphore(%arg13 : memref<!tpu.dma_semaphore, #tpu.memory_space<semaphore_mem>>)
      %add3A_170 = arith.constant 512 : i32
      %add3A_171 = arith.addi %multiple_of3A_131, %add3A_170 : i32
      %dma_start3A_172 = arith.constant 512 : i32
      %dma_start3A_173 = arith.constant 0 : i32
      %dma_start3A_174 = tpu.memref_slice %arg11[%dma_start3A_172, %dma_start3A_173] : memref<1280x32xf32, #tpu.memory_space<vmem>> -> memref<128x32xf32, #tpu.memory_space<vmem>>
      %dma_start3A_175 = tpu.memref_slice %arg10[%add3A_171] : memref<5120xi32, #tpu.memory_space<vmem>> -> memref<128xi32, #tpu.memory_space<vmem>>
      %dma_start3A_176 = arith.constant 0 : i32
      %dma_start3A_177 = arith.constant 0 : i32
      %dma_start3A_178 = tpu.memref_slice %arg2[%dma_start3A_176, %dma_start3A_177] : memref<400000x32xf32, #tpu.memory_space<hbm>> -> memref<400000x32xf32, #tpu.memory_space<hbm>>
      tpu.enqueue_indirect_dma source(%dma_start3A_178 : memref<400000x32xf32, #tpu.memory_space<hbm>>) target(%dma_start3A_174 : memref<128x32xf32, #tpu.memory_space<vmem>>) offsets(%dma_start3A_175 : memref<128xi32, #tpu.memory_space<vmem>>) semaphore(%arg13 : memref<!tpu.dma_semaphore, #tpu.memory_space<semaphore_mem>>)
      %add3A_179 = arith.constant 640 : i32
      %add3A_180 = arith.addi %multiple_of3A_131, %add3A_179 : i32
      %dma_start3A_181 = arith.constant 640 : i32
      %dma_start3A_182 = arith.constant 0 : i32
      %dma_start3A_183 = tpu.memref_slice %arg11[%dma_start3A_181, %dma_start3A_182] : memref<1280x32xf32, #tpu.memory_space<vmem>> -> memref<128x32xf32, #tpu.memory_space<vmem>>
      %dma_start3A_184 = tpu.memref_slice %arg10[%add3A_180] : memref<5120xi32, #tpu.memory_space<vmem>> -> memref<128xi32, #tpu.memory_space<vmem>>
      %dma_start3A_185 = arith.constant 0 : i32
      %dma_start3A_186 = arith.constant 0 : i32
      %dma_start3A_187 = tpu.memref_slice %arg2[%dma_start3A_185, %dma_start3A_186] : memref<400000x32xf32, #tpu.memory_space<hbm>> -> memref<400000x32xf32, #tpu.memory_space<hbm>>
      tpu.enqueue_indirect_dma source(%dma_start3A_187 : memref<400000x32xf32, #tpu.memory_space<hbm>>) target(%dma_start3A_183 : memref<128x32xf32, #tpu.memory_space<vmem>>) offsets(%dma_start3A_184 : memref<128xi32, #tpu.memory_space<vmem>>) semaphore(%arg13 : memref<!tpu.dma_semaphore, #tpu.memory_space<semaphore_mem>>)
      %add3A_188 = arith.constant 768 : i32
      %add3A_189 = arith.addi %multiple_of3A_131, %add3A_188 : i32
      %dma_start3A_190 = arith.constant 768 : i32
      %dma_start3A_191 = arith.constant 0 : i32
      %dma_start3A_192 = tpu.memref_slice %arg11[%dma_start3A_190, %dma_start3A_191] : memref<1280x32xf32, #tpu.memory_space<vmem>> -> memref<128x32xf32, #tpu.memory_space<vmem>>
      %dma_start3A_193 = tpu.memref_slice %arg10[%add3A_189] : memref<5120xi32, #tpu.memory_space<vmem>> -> memref<128xi32, #tpu.memory_space<vmem>>
      %dma_start3A_194 = arith.constant 0 : i32
      %dma_start3A_195 = arith.constant 0 : i32
      %dma_start3A_196 = tpu.memref_slice %arg2[%dma_start3A_194, %dma_start3A_195] : memref<400000x32xf32, #tpu.memory_space<hbm>> -> memref<400000x32xf32, #tpu.memory_space<hbm>>
      tpu.enqueue_indirect_dma source(%dma_start3A_196 : memref<400000x32xf32, #tpu.memory_space<hbm>>) target(%dma_start3A_192 : memref<128x32xf32, #tpu.memory_space<vmem>>) offsets(%dma_start3A_193 : memref<128xi32, #tpu.memory_space<vmem>>) semaphore(%arg13 : memref<!tpu.dma_semaphore, #tpu.memory_space<semaphore_mem>>)
      %add3A_197 = arith.constant 896 : i32
      %add3A_198 = arith.addi %multiple_of3A_131, %add3A_197 : i32
      %dma_start3A_199 = arith.constant 896 : i32
      %dma_start3A_200 = arith.constant 0 : i32
      %dma_start3A_201 = tpu.memref_slice %arg11[%dma_start3A_199, %dma_start3A_200] : memref<1280x32xf32, #tpu.memory_space<vmem>> -> memref<128x32xf32, #tpu.memory_space<vmem>>
      %dma_start3A_202 = tpu.memref_slice %arg10[%add3A_198] : memref<5120xi32, #tpu.memory_space<vmem>> -> memref<128xi32, #tpu.memory_space<vmem>>
      %dma_start3A_203 = arith.constant 0 : i32
      %dma_start3A_204 = arith.constant 0 : i32
      %dma_start3A_205 = tpu.memref_slice %arg2[%dma_start3A_203, %dma_start3A_204] : memref<400000x32xf32, #tpu.memory_space<hbm>> -> memref<400000x32xf32, #tpu.memory_space<hbm>>
      tpu.enqueue_indirect_dma source(%dma_start3A_205 : memref<400000x32xf32, #tpu.memory_space<hbm>>) target(%dma_start3A_201 : memref<128x32xf32, #tpu.memory_space<vmem>>) offsets(%dma_start3A_202 : memref<128xi32, #tpu.memory_space<vmem>>) semaphore(%arg13 : memref<!tpu.dma_semaphore, #tpu.memory_space<semaphore_mem>>)
      %add3A_206 = arith.constant 1024 : i32
      %add3A_207 = arith.addi %multiple_of3A_131, %add3A_206 : i32
      %dma_start3A_208 = arith.constant 1024 : i32
      %dma_start3A_209 = arith.constant 0 : i32
      %dma_start3A_210 = tpu.memref_slice %arg11[%dma_start3A_208, %dma_start3A_209] : memref<1280x32xf32, #tpu.memory_space<vmem>> -> memref<128x32xf32, #tpu.memory_space<vmem>>
      %dma_start3A_211 = tpu.memref_slice %arg10[%add3A_207] : memref<5120xi32, #tpu.memory_space<vmem>> -> memref<128xi32, #tpu.memory_space<vmem>>
      %dma_start3A_212 = arith.constant 0 : i32
      %dma_start3A_213 = arith.constant 0 : i32
      %dma_start3A_214 = tpu.memref_slice %arg2[%dma_start3A_212, %dma_start3A_213] : memref<400000x32xf32, #tpu.memory_space<hbm>> -> memref<400000x32xf32, #tpu.memory_space<hbm>>
      tpu.enqueue_indirect_dma source(%dma_start3A_214 : memref<400000x32xf32, #tpu.memory_space<hbm>>) target(%dma_start3A_210 : memref<128x32xf32, #tpu.memory_space<vmem>>) offsets(%dma_start3A_211 : memref<128xi32, #tpu.memory_space<vmem>>) semaphore(%arg13 : memref<!tpu.dma_semaphore, #tpu.memory_space<semaphore_mem>>)
      %add3A_215 = arith.constant 1152 : i32
      %add3A_216 = arith.addi %multiple_of3A_131, %add3A_215 : i32
      %dma_start3A_217 = arith.constant 1152 : i32
      %dma_start3A_218 = arith.constant 0 : i32
      %dma_start3A_219 = tpu.memref_slice %arg11[%dma_start3A_217, %dma_start3A_218] : memref<1280x32xf32, #tpu.memory_space<vmem>> -> memref<128x32xf32, #tpu.memory_space<vmem>>
      %dma_start3A_220 = tpu.memref_slice %arg10[%add3A_216] : memref<5120xi32, #tpu.memory_space<vmem>> -> memref<128xi32, #tpu.memory_space<vmem>>
      %dma_start3A_221 = arith.constant 0 : i32
      %dma_start3A_222 = arith.constant 0 : i32
      %dma_start3A_223 = tpu.memref_slice %arg2[%dma_start3A_221, %dma_start3A_222] : memref<400000x32xf32, #tpu.memory_space<hbm>> -> memref<400000x32xf32, #tpu.memory_space<hbm>>
      tpu.enqueue_indirect_dma source(%dma_start3A_223 : memref<400000x32xf32, #tpu.memory_space<hbm>>) target(%dma_start3A_219 : memref<128x32xf32, #tpu.memory_space<vmem>>) offsets(%dma_start3A_220 : memref<128xi32, #tpu.memory_space<vmem>>) semaphore(%arg13 : memref<!tpu.dma_semaphore, #tpu.memory_space<semaphore_mem>>)
      %add3A_224 = arith.constant 0 : i32
      %add3A_225 = arith.addi %add3A_133, %add3A_224 : i32
      %dma_start3A_226 = arith.constant 0 : i32
      %dma_start3A_227 = arith.constant 0 : i32
      %dma_start3A_228 = tpu.memref_slice %arg12[%dma_start3A_226, %dma_start3A_227] : memref<1280x32xf32, #tpu.memory_space<vmem>> -> memref<128x32xf32, #tpu.memory_space<vmem>>
      %dma_start3A_229 = tpu.memref_slice %arg10[%add3A_225] : memref<5120xi32, #tpu.memory_space<vmem>> -> memref<128xi32, #tpu.memory_space<vmem>>
      %dma_start3A_230 = arith.constant 0 : i32
      %dma_start3A_231 = arith.constant 0 : i32
      %dma_start3A_232 = tpu.memref_slice %arg2[%dma_start3A_230, %dma_start3A_231] : memref<400000x32xf32, #tpu.memory_space<hbm>> -> memref<400000x32xf32, #tpu.memory_space<hbm>>
      tpu.enqueue_indirect_dma source(%dma_start3A_232 : memref<400000x32xf32, #tpu.memory_space<hbm>>) target(%dma_start3A_228 : memref<128x32xf32, #tpu.memory_space<vmem>>) offsets(%dma_start3A_229 : memref<128xi32, #tpu.memory_space<vmem>>) semaphore(%arg14 : memref<!tpu.dma_semaphore, #tpu.memory_space<semaphore_mem>>)
      %add3A_233 = arith.constant 128 : i32
      %add3A_234 = arith.addi %add3A_133, %add3A_233 : i32
      %dma_start3A_235 = arith.constant 128 : i32
      %dma_start3A_236 = arith.constant 0 : i32
      %dma_start3A_237 = tpu.memref_slice %arg12[%dma_start3A_235, %dma_start3A_236] : memref<1280x32xf32, #tpu.memory_space<vmem>> -> memref<128x32xf32, #tpu.memory_space<vmem>>
      %dma_start3A_238 = tpu.memref_slice %arg10[%add3A_234] : memref<5120xi32, #tpu.memory_space<vmem>> -> memref<128xi32, #tpu.memory_space<vmem>>
      %dma_start3A_239 = arith.constant 0 : i32
      %dma_start3A_240 = arith.constant 0 : i32
      %dma_start3A_241 = tpu.memref_slice %arg2[%dma_start3A_239, %dma_start3A_240] : memref<400000x32xf32, #tpu.memory_space<hbm>> -> memref<400000x32xf32, #tpu.memory_space<hbm>>
      tpu.enqueue_indirect_dma source(%dma_start3A_241 : memref<400000x32xf32, #tpu.memory_space<hbm>>) target(%dma_start3A_237 : memref<128x32xf32, #tpu.memory_space<vmem>>) offsets(%dma_start3A_238 : memref<128xi32, #tpu.memory_space<vmem>>) semaphore(%arg14 : memref<!tpu.dma_semaphore, #tpu.memory_space<semaphore_mem>>)
      %add3A_242 = arith.constant 256 : i32
      %add3A_243 = arith.addi %add3A_133, %add3A_242 : i32
      %dma_start3A_244 = arith.constant 256 : i32
      %dma_start3A_245 = arith.constant 0 : i32
      %dma_start3A_246 = tpu.memref_slice %arg12[%dma_start3A_244, %dma_start3A_245] : memref<1280x32xf32, #tpu.memory_space<vmem>> -> memref<128x32xf32, #tpu.memory_space<vmem>>
      %dma_start3A_247 = tpu.memref_slice %arg10[%add3A_243] : memref<5120xi32, #tpu.memory_space<vmem>> -> memref<128xi32, #tpu.memory_space<vmem>>
      %dma_start3A_248 = arith.constant 0 : i32
      %dma_start3A_249 = arith.constant 0 : i32
      %dma_start3A_250 = tpu.memref_slice %arg2[%dma_start3A_248, %dma_start3A_249] : memref<400000x32xf32, #tpu.memory_space<hbm>> -> memref<400000x32xf32, #tpu.memory_space<hbm>>
      tpu.enqueue_indirect_dma source(%dma_start3A_250 : memref<400000x32xf32, #tpu.memory_space<hbm>>) target(%dma_start3A_246 : memref<128x32xf32, #tpu.memory_space<vmem>>) offsets(%dma_start3A_247 : memref<128xi32, #tpu.memory_space<vmem>>) semaphore(%arg14 : memref<!tpu.dma_semaphore, #tpu.memory_space<semaphore_mem>>)
      %add3A_251 = arith.constant 384 : i32
      %add3A_252 = arith.addi %add3A_133, %add3A_251 : i32
      %dma_start3A_253 = arith.constant 384 : i32
      %dma_start3A_254 = arith.constant 0 : i32
      %dma_start3A_255 = tpu.memref_slice %arg12[%dma_start3A_253, %dma_start3A_254] : memref<1280x32xf32, #tpu.memory_space<vmem>> -> memref<128x32xf32, #tpu.memory_space<vmem>>
      %dma_start3A_256 = tpu.memref_slice %arg10[%add3A_252] : memref<5120xi32, #tpu.memory_space<vmem>> -> memref<128xi32, #tpu.memory_space<vmem>>
      %dma_start3A_257 = arith.constant 0 : i32
      %dma_start3A_258 = arith.constant 0 : i32
      %dma_start3A_259 = tpu.memref_slice %arg2[%dma_start3A_257, %dma_start3A_258] : memref<400000x32xf32, #tpu.memory_space<hbm>> -> memref<400000x32xf32, #tpu.memory_space<hbm>>
      tpu.enqueue_indirect_dma source(%dma_start3A_259 : memref<400000x32xf32, #tpu.memory_space<hbm>>) target(%dma_start3A_255 : memref<128x32xf32, #tpu.memory_space<vmem>>) offsets(%dma_start3A_256 : memref<128xi32, #tpu.memory_space<vmem>>) semaphore(%arg14 : memref<!tpu.dma_semaphore, #tpu.memory_space<semaphore_mem>>)
      %add3A_260 = arith.constant 512 : i32
      %add3A_261 = arith.addi %add3A_133, %add3A_260 : i32
      %dma_start3A_262 = arith.constant 512 : i32
      %dma_start3A_263 = arith.constant 0 : i32
      %dma_start3A_264 = tpu.memref_slice %arg12[%dma_start3A_262, %dma_start3A_263] : memref<1280x32xf32, #tpu.memory_space<vmem>> -> memref<128x32xf32, #tpu.memory_space<vmem>>
      %dma_start3A_265 = tpu.memref_slice %arg10[%add3A_261] : memref<5120xi32, #tpu.memory_space<vmem>> -> memref<128xi32, #tpu.memory_space<vmem>>
      %dma_start3A_266 = arith.constant 0 : i32
      %dma_start3A_267 = arith.constant 0 : i32
      %dma_start3A_268 = tpu.memref_slice %arg2[%dma_start3A_266, %dma_start3A_267] : memref<400000x32xf32, #tpu.memory_space<hbm>> -> memref<400000x32xf32, #tpu.memory_space<hbm>>
      tpu.enqueue_indirect_dma source(%dma_start3A_268 : memref<400000x32xf32, #tpu.memory_space<hbm>>) target(%dma_start3A_264 : memref<128x32xf32, #tpu.memory_space<vmem>>) offsets(%dma_start3A_265 : memref<128xi32, #tpu.memory_space<vmem>>) semaphore(%arg14 : memref<!tpu.dma_semaphore, #tpu.memory_space<semaphore_mem>>)
      %add3A_269 = arith.constant 640 : i32
      %add3A_270 = arith.addi %add3A_133, %add3A_269 : i32
      %dma_start3A_271 = arith.constant 640 : i32
      %dma_start3A_272 = arith.constant 0 : i32
      %dma_start3A_273 = tpu.memref_slice %arg12[%dma_start3A_271, %dma_start3A_272] : memref<1280x32xf32, #tpu.memory_space<vmem>> -> memref<128x32xf32, #tpu.memory_space<vmem>>
      %dma_start3A_274 = tpu.memref_slice %arg10[%add3A_270] : memref<5120xi32, #tpu.memory_space<vmem>> -> memref<128xi32, #tpu.memory_space<vmem>>
      %dma_start3A_275 = arith.constant 0 : i32
      %dma_start3A_276 = arith.constant 0 : i32
      %dma_start3A_277 = tpu.memref_slice %arg2[%dma_start3A_275, %dma_start3A_276] : memref<400000x32xf32, #tpu.memory_space<hbm>> -> memref<400000x32xf32, #tpu.memory_space<hbm>>
      tpu.enqueue_indirect_dma source(%dma_start3A_277 : memref<400000x32xf32, #tpu.memory_space<hbm>>) target(%dma_start3A_273 : memref<128x32xf32, #tpu.memory_space<vmem>>) offsets(%dma_start3A_274 : memref<128xi32, #tpu.memory_space<vmem>>) semaphore(%arg14 : memref<!tpu.dma_semaphore, #tpu.memory_space<semaphore_mem>>)
      %add3A_278 = arith.constant 768 : i32
      %add3A_279 = arith.addi %add3A_133, %add3A_278 : i32
      %dma_start3A_280 = arith.constant 768 : i32
      %dma_start3A_281 = arith.constant 0 : i32
      %dma_start3A_282 = tpu.memref_slice %arg12[%dma_start3A_280, %dma_start3A_281] : memref<1280x32xf32, #tpu.memory_space<vmem>> -> memref<128x32xf32, #tpu.memory_space<vmem>>
      %dma_start3A_283 = tpu.memref_slice %arg10[%add3A_279] : memref<5120xi32, #tpu.memory_space<vmem>> -> memref<128xi32, #tpu.memory_space<vmem>>
      %dma_start3A_284 = arith.constant 0 : i32
      %dma_start3A_285 = arith.constant 0 : i32
      %dma_start3A_286 = tpu.memref_slice %arg2[%dma_start3A_284, %dma_start3A_285] : memref<400000x32xf32, #tpu.memory_space<hbm>> -> memref<400000x32xf32, #tpu.memory_space<hbm>>
      tpu.enqueue_indirect_dma source(%dma_start3A_286 : memref<400000x32xf32, #tpu.memory_space<hbm>>) target(%dma_start3A_282 : memref<128x32xf32, #tpu.memory_space<vmem>>) offsets(%dma_start3A_283 : memref<128xi32, #tpu.memory_space<vmem>>) semaphore(%arg14 : memref<!tpu.dma_semaphore, #tpu.memory_space<semaphore_mem>>)
      %add3A_287 = arith.constant 896 : i32
      %add3A_288 = arith.addi %add3A_133, %add3A_287 : i32
      %dma_start3A_289 = arith.constant 896 : i32
      %dma_start3A_290 = arith.constant 0 : i32
      %dma_start3A_291 = tpu.memref_slice %arg12[%dma_start3A_289, %dma_start3A_290] : memref<1280x32xf32, #tpu.memory_space<vmem>> -> memref<128x32xf32, #tpu.memory_space<vmem>>
      %dma_start3A_292 = tpu.memref_slice %arg10[%add3A_288] : memref<5120xi32, #tpu.memory_space<vmem>> -> memref<128xi32, #tpu.memory_space<vmem>>
      %dma_start3A_293 = arith.constant 0 : i32
      %dma_start3A_294 = arith.constant 0 : i32
      %dma_start3A_295 = tpu.memref_slice %arg2[%dma_start3A_293, %dma_start3A_294] : memref<400000x32xf32, #tpu.memory_space<hbm>> -> memref<400000x32xf32, #tpu.memory_space<hbm>>
      tpu.enqueue_indirect_dma source(%dma_start3A_295 : memref<400000x32xf32, #tpu.memory_space<hbm>>) target(%dma_start3A_291 : memref<128x32xf32, #tpu.memory_space<vmem>>) offsets(%dma_start3A_292 : memref<128xi32, #tpu.memory_space<vmem>>) semaphore(%arg14 : memref<!tpu.dma_semaphore, #tpu.memory_space<semaphore_mem>>)
      %add3A_296 = arith.constant 1024 : i32
      %add3A_297 = arith.addi %add3A_133, %add3A_296 : i32
      %dma_start3A_298 = arith.constant 1024 : i32
      %dma_start3A_299 = arith.constant 0 : i32
      %dma_start3A_300 = tpu.memref_slice %arg12[%dma_start3A_298, %dma_start3A_299] : memref<1280x32xf32, #tpu.memory_space<vmem>> -> memref<128x32xf32, #tpu.memory_space<vmem>>
      %dma_start3A_301 = tpu.memref_slice %arg10[%add3A_297] : memref<5120xi32, #tpu.memory_space<vmem>> -> memref<128xi32, #tpu.memory_space<vmem>>
      %dma_start3A_302 = arith.constant 0 : i32
      %dma_start3A_303 = arith.constant 0 : i32
      %dma_start3A_304 = tpu.memref_slice %arg2[%dma_start3A_302, %dma_start3A_303] : memref<400000x32xf32, #tpu.memory_space<hbm>> -> memref<400000x32xf32, #tpu.memory_space<hbm>>
      tpu.enqueue_indirect_dma source(%dma_start3A_304 : memref<400000x32xf32, #tpu.memory_space<hbm>>) target(%dma_start3A_300 : memref<128x32xf32, #tpu.memory_space<vmem>>) offsets(%dma_start3A_301 : memref<128xi32, #tpu.memory_space<vmem>>) semaphore(%arg14 : memref<!tpu.dma_semaphore, #tpu.memory_space<semaphore_mem>>)
      %add3A_305 = arith.constant 1152 : i32
      %add3A_306 = arith.addi %add3A_133, %add3A_305 : i32
      %dma_start3A_307 = arith.constant 1152 : i32
      %dma_start3A_308 = arith.constant 0 : i32
      %dma_start3A_309 = tpu.memref_slice %arg12[%dma_start3A_307, %dma_start3A_308] : memref<1280x32xf32, #tpu.memory_space<vmem>> -> memref<128x32xf32, #tpu.memory_space<vmem>>
      %dma_start3A_310 = tpu.memref_slice %arg10[%add3A_306] : memref<5120xi32, #tpu.memory_space<vmem>> -> memref<128xi32, #tpu.memory_space<vmem>>
      %dma_start3A_311 = arith.constant 0 : i32
      %dma_start3A_312 = arith.constant 0 : i32
      %dma_start3A_313 = tpu.memref_slice %arg2[%dma_start3A_311, %dma_start3A_312] : memref<400000x32xf32, #tpu.memory_space<hbm>> -> memref<400000x32xf32, #tpu.memory_space<hbm>>
      tpu.enqueue_indirect_dma source(%dma_start3A_313 : memref<400000x32xf32, #tpu.memory_space<hbm>>) target(%dma_start3A_309 : memref<128x32xf32, #tpu.memory_space<vmem>>) offsets(%dma_start3A_310 : memref<128xi32, #tpu.memory_space<vmem>>) semaphore(%arg14 : memref<!tpu.dma_semaphore, #tpu.memory_space<semaphore_mem>>)
      %dma_wait3A_314 = arith.constant 0 : i32
      %dma_wait3A_315 = arith.constant 0 : i32
      %dma_wait3A_316 = tpu.memref_slice %arg11[%dma_wait3A_314, %dma_wait3A_315] : memref<1280x32xf32, #tpu.memory_space<vmem>> -> memref<128x32xf32, #tpu.memory_space<vmem>>
      %dma_wait3A_317 = tpu.memref_slice %arg10[%add3A_135] : memref<5120xi32, #tpu.memory_space<vmem>> -> memref<128xi32, #tpu.memory_space<vmem>>
      %dma_wait3A_318 = arith.constant 0 : i32
      %dma_wait3A_319 = arith.constant 0 : i32
      %dma_wait3A_320 = tpu.memref_slice %arg2[%dma_wait3A_318, %dma_wait3A_319] : memref<400000x32xf32, #tpu.memory_space<hbm>> -> memref<400000x32xf32, #tpu.memory_space<hbm>>
      tpu.wait_indirect_dma semaphore(%arg13 : memref<!tpu.dma_semaphore, #tpu.memory_space<semaphore_mem>>) src(%dma_wait3A_320 : memref<400000x32xf32, #tpu.memory_space<hbm>>) dst(%dma_wait3A_316 : memref<128x32xf32, #tpu.memory_space<vmem>>)
      %dma_wait3A_321 = arith.constant 128 : i32
      %dma_wait3A_322 = arith.constant 0 : i32
      %dma_wait3A_323 = tpu.memref_slice %arg11[%dma_wait3A_321, %dma_wait3A_322] : memref<1280x32xf32, #tpu.memory_space<vmem>> -> memref<128x32xf32, #tpu.memory_space<vmem>>
      %dma_wait3A_324 = tpu.memref_slice %arg10[%add3A_144] : memref<5120xi32, #tpu.memory_space<vmem>> -> memref<128xi32, #tpu.memory_space<vmem>>
      %dma_wait3A_325 = arith.constant 0 : i32
      %dma_wait3A_326 = arith.constant 0 : i32
      %dma_wait3A_327 = tpu.memref_slice %arg2[%dma_wait3A_325, %dma_wait3A_326] : memref<400000x32xf32, #tpu.memory_space<hbm>> -> memref<400000x32xf32, #tpu.memory_space<hbm>>
      tpu.wait_indirect_dma semaphore(%arg13 : memref<!tpu.dma_semaphore, #tpu.memory_space<semaphore_mem>>) src(%dma_wait3A_327 : memref<400000x32xf32, #tpu.memory_space<hbm>>) dst(%dma_wait3A_323 : memref<128x32xf32, #tpu.memory_space<vmem>>)
      %dma_wait3A_328 = arith.constant 256 : i32
      %dma_wait3A_329 = arith.constant 0 : i32
      %dma_wait3A_330 = tpu.memref_slice %arg11[%dma_wait3A_328, %dma_wait3A_329] : memref<1280x32xf32, #tpu.memory_space<vmem>> -> memref<128x32xf32, #tpu.memory_space<vmem>>
      %dma_wait3A_331 = tpu.memref_slice %arg10[%add3A_153] : memref<5120xi32, #tpu.memory_space<vmem>> -> memref<128xi32, #tpu.memory_space<vmem>>
      %dma_wait3A_332 = arith.constant 0 : i32
      %dma_wait3A_333 = arith.constant 0 : i32
      %dma_wait3A_334 = tpu.memref_slice %arg2[%dma_wait3A_332, %dma_wait3A_333] : memref<400000x32xf32, #tpu.memory_space<hbm>> -> memref<400000x32xf32, #tpu.memory_space<hbm>>
      tpu.wait_indirect_dma semaphore(%arg13 : memref<!tpu.dma_semaphore, #tpu.memory_space<semaphore_mem>>) src(%dma_wait3A_334 : memref<400000x32xf32, #tpu.memory_space<hbm>>) dst(%dma_wait3A_330 : memref<128x32xf32, #tpu.memory_space<vmem>>)
      %dma_wait3A_335 = arith.constant 384 : i32
      %dma_wait3A_336 = arith.constant 0 : i32
      %dma_wait3A_337 = tpu.memref_slice %arg11[%dma_wait3A_335, %dma_wait3A_336] : memref<1280x32xf32, #tpu.memory_space<vmem>> -> memref<128x32xf32, #tpu.memory_space<vmem>>
      %dma_wait3A_338 = tpu.memref_slice %arg10[%add3A_162] : memref<5120xi32, #tpu.memory_space<vmem>> -> memref<128xi32, #tpu.memory_space<vmem>>
      %dma_wait3A_339 = arith.constant 0 : i32
      %dma_wait3A_340 = arith.constant 0 : i32
      %dma_wait3A_341 = tpu.memref_slice %arg2[%dma_wait3A_339, %dma_wait3A_340] : memref<400000x32xf32, #tpu.memory_space<hbm>> -> memref<400000x32xf32, #tpu.memory_space<hbm>>
      tpu.wait_indirect_dma semaphore(%arg13 : memref<!tpu.dma_semaphore, #tpu.memory_space<semaphore_mem>>) src(%dma_wait3A_341 : memref<400000x32xf32, #tpu.memory_space<hbm>>) dst(%dma_wait3A_337 : memref<128x32xf32, #tpu.memory_space<vmem>>)
      %dma_wait3A_342 = arith.constant 512 : i32
      %dma_wait3A_343 = arith.constant 0 : i32
      %dma_wait3A_344 = tpu.memref_slice %arg11[%dma_wait3A_342, %dma_wait3A_343] : memref<1280x32xf32, #tpu.memory_space<vmem>> -> memref<128x32xf32, #tpu.memory_space<vmem>>
      %dma_wait3A_345 = tpu.memref_slice %arg10[%add3A_171] : memref<5120xi32, #tpu.memory_space<vmem>> -> memref<128xi32, #tpu.memory_space<vmem>>
      %dma_wait3A_346 = arith.constant 0 : i32
      %dma_wait3A_347 = arith.constant 0 : i32
      %dma_wait3A_348 = tpu.memref_slice %arg2[%dma_wait3A_346, %dma_wait3A_347] : memref<400000x32xf32, #tpu.memory_space<hbm>> -> memref<400000x32xf32, #tpu.memory_space<hbm>>
      tpu.wait_indirect_dma semaphore(%arg13 : memref<!tpu.dma_semaphore, #tpu.memory_space<semaphore_mem>>) src(%dma_wait3A_348 : memref<400000x32xf32, #tpu.memory_space<hbm>>) dst(%dma_wait3A_344 : memref<128x32xf32, #tpu.memory_space<vmem>>)
      %dma_wait3A_349 = arith.constant 640 : i32
      %dma_wait3A_350 = arith.constant 0 : i32
      %dma_wait3A_351 = tpu.memref_slice %arg11[%dma_wait3A_349, %dma_wait3A_350] : memref<1280x32xf32, #tpu.memory_space<vmem>> -> memref<128x32xf32, #tpu.memory_space<vmem>>
      %dma_wait3A_352 = tpu.memref_slice %arg10[%add3A_180] : memref<5120xi32, #tpu.memory_space<vmem>> -> memref<128xi32, #tpu.memory_space<vmem>>
      %dma_wait3A_353 = arith.constant 0 : i32
      %dma_wait3A_354 = arith.constant 0 : i32
      %dma_wait3A_355 = tpu.memref_slice %arg2[%dma_wait3A_353, %dma_wait3A_354] : memref<400000x32xf32, #tpu.memory_space<hbm>> -> memref<400000x32xf32, #tpu.memory_space<hbm>>
      tpu.wait_indirect_dma semaphore(%arg13 : memref<!tpu.dma_semaphore, #tpu.memory_space<semaphore_mem>>) src(%dma_wait3A_355 : memref<400000x32xf32, #tpu.memory_space<hbm>>) dst(%dma_wait3A_351 : memref<128x32xf32, #tpu.memory_space<vmem>>)
      %dma_wait3A_356 = arith.constant 768 : i32
      %dma_wait3A_357 = arith.constant 0 : i32
      %dma_wait3A_358 = tpu.memref_slice %arg11[%dma_wait3A_356, %dma_wait3A_357] : memref<1280x32xf32, #tpu.memory_space<vmem>> -> memref<128x32xf32, #tpu.memory_space<vmem>>
      %dma_wait3A_359 = tpu.memref_slice %arg10[%add3A_189] : memref<5120xi32, #tpu.memory_space<vmem>> -> memref<128xi32, #tpu.memory_space<vmem>>
      %dma_wait3A_360 = arith.constant 0 : i32
      %dma_wait3A_361 = arith.constant 0 : i32
      %dma_wait3A_362 = tpu.memref_slice %arg2[%dma_wait3A_360, %dma_wait3A_361] : memref<400000x32xf32, #tpu.memory_space<hbm>> -> memref<400000x32xf32, #tpu.memory_space<hbm>>
      tpu.wait_indirect_dma semaphore(%arg13 : memref<!tpu.dma_semaphore, #tpu.memory_space<semaphore_mem>>) src(%dma_wait3A_362 : memref<400000x32xf32, #tpu.memory_space<hbm>>) dst(%dma_wait3A_358 : memref<128x32xf32, #tpu.memory_space<vmem>>)
      %dma_wait3A_363 = arith.constant 896 : i32
      %dma_wait3A_364 = arith.constant 0 : i32
      %dma_wait3A_365 = tpu.memref_slice %arg11[%dma_wait3A_363, %dma_wait3A_364] : memref<1280x32xf32, #tpu.memory_space<vmem>> -> memref<128x32xf32, #tpu.memory_space<vmem>>
      %dma_wait3A_366 = tpu.memref_slice %arg10[%add3A_198] : memref<5120xi32, #tpu.memory_space<vmem>> -> memref<128xi32, #tpu.memory_space<vmem>>
      %dma_wait3A_367 = arith.constant 0 : i32
      %dma_wait3A_368 = arith.constant 0 : i32
      %dma_wait3A_369 = tpu.memref_slice %arg2[%dma_wait3A_367, %dma_wait3A_368] : memref<400000x32xf32, #tpu.memory_space<hbm>> -> memref<400000x32xf32, #tpu.memory_space<hbm>>
      tpu.wait_indirect_dma semaphore(%arg13 : memref<!tpu.dma_semaphore, #tpu.memory_space<semaphore_mem>>) src(%dma_wait3A_369 : memref<400000x32xf32, #tpu.memory_space<hbm>>) dst(%dma_wait3A_365 : memref<128x32xf32, #tpu.memory_space<vmem>>)
      %dma_wait3A_370 = arith.constant 1024 : i32
      %dma_wait3A_371 = arith.constant 0 : i32
      %dma_wait3A_372 = tpu.memref_slice %arg11[%dma_wait3A_370, %dma_wait3A_371] : memref<1280x32xf32, #tpu.memory_space<vmem>> -> memref<128x32xf32, #tpu.memory_space<vmem>>
      %dma_wait3A_373 = tpu.memref_slice %arg10[%add3A_207] : memref<5120xi32, #tpu.memory_space<vmem>> -> memref<128xi32, #tpu.memory_space<vmem>>
      %dma_wait3A_374 = arith.constant 0 : i32
      %dma_wait3A_375 = arith.constant 0 : i32
      %dma_wait3A_376 = tpu.memref_slice %arg2[%dma_wait3A_374, %dma_wait3A_375] : memref<400000x32xf32, #tpu.memory_space<hbm>> -> memref<400000x32xf32, #tpu.memory_space<hbm>>
      tpu.wait_indirect_dma semaphore(%arg13 : memref<!tpu.dma_semaphore, #tpu.memory_space<semaphore_mem>>) src(%dma_wait3A_376 : memref<400000x32xf32, #tpu.memory_space<hbm>>) dst(%dma_wait3A_372 : memref<128x32xf32, #tpu.memory_space<vmem>>)
      %dma_wait3A_377 = arith.constant 1152 : i32
      %dma_wait3A_378 = arith.constant 0 : i32
      %dma_wait3A_379 = tpu.memref_slice %arg11[%dma_wait3A_377, %dma_wait3A_378] : memref<1280x32xf32, #tpu.memory_space<vmem>> -> memref<128x32xf32, #tpu.memory_space<vmem>>
      %dma_wait3A_380 = tpu.memref_slice %arg10[%add3A_216] : memref<5120xi32, #tpu.memory_space<vmem>> -> memref<128xi32, #tpu.memory_space<vmem>>
      %dma_wait3A_381 = arith.constant 0 : i32
      %dma_wait3A_382 = arith.constant 0 : i32
      %dma_wait3A_383 = tpu.memref_slice %arg2[%dma_wait3A_381, %dma_wait3A_382] : memref<400000x32xf32, #tpu.memory_space<hbm>> -> memref<400000x32xf32, #tpu.memory_space<hbm>>
      tpu.wait_indirect_dma semaphore(%arg13 : memref<!tpu.dma_semaphore, #tpu.memory_space<semaphore_mem>>) src(%dma_wait3A_383 : memref<400000x32xf32, #tpu.memory_space<hbm>>) dst(%dma_wait3A_379 : memref<128x32xf32, #tpu.memory_space<vmem>>)
      %add3A_384 = arith.addi %multiple_of3A_5, %multiple_of3A_131 : i32
      "tpu.region"() ({
        %run_scoped3A = tpu.sem_alloc : memref<!tpu.dma_semaphore, #tpu.memory_space<semaphore_mem>>
        %dma_start3A_456 = arith.constant 0 : i32
        %dma_start3A_457 = tpu.memref_slice %arg8[%add3A_384, %dma_start3A_456] : memref<163840x32xf32, #tpu.memory_space<hbm>> -> memref<1280x32xf32, #tpu.memory_space<hbm>>
        %dma_start3A_458 = arith.constant 0 : i32
        %dma_start3A_459 = tpu.memref_slice %arg8[%add3A_384, %dma_start3A_458] : memref<163840x32xf32, #tpu.memory_space<hbm>> -> memref<1280x32xf32, #tpu.memory_space<hbm>>
        tpu.enqueue_dma source(%arg11 : memref<1280x32xf32, #tpu.memory_space<vmem>>) target(%dma_start3A_459 : memref<1280x32xf32, #tpu.memory_space<hbm>>) target_semaphore(%run_scoped3A : memref<!tpu.dma_semaphore, #tpu.memory_space<semaphore_mem>>)
        %dma_wait3A_460 = arith.constant 0 : i32
        %dma_wait3A_461 = tpu.memref_slice %arg8[%add3A_384, %dma_wait3A_460] : memref<163840x32xf32, #tpu.memory_space<hbm>> -> memref<1280x32xf32, #tpu.memory_space<hbm>>
        %dma_wait3A_462 = arith.constant 0 : i32
        %dma_wait3A_463 = tpu.memref_slice %arg8[%add3A_384, %dma_wait3A_462] : memref<163840x32xf32, #tpu.memory_space<hbm>> -> memref<1280x32xf32, #tpu.memory_space<hbm>>
        tpu.wait_dma2 semaphore(%run_scoped3A : memref<!tpu.dma_semaphore, #tpu.memory_space<semaphore_mem>>) src(%arg11 : memref<1280x32xf32, #tpu.memory_space<vmem>>) dst(%dma_wait3A_463 : memref<1280x32xf32, #tpu.memory_space<hbm>>)
        tpu.yield
      }) : () -> ()
      %dma_wait3A_385 = arith.constant 0 : i32
      %dma_wait3A_386 = arith.constant 0 : i32
      %dma_wait3A_387 = tpu.memref_slice %arg12[%dma_wait3A_385, %dma_wait3A_386] : memref<1280x32xf32, #tpu.memory_space<vmem>> -> memref<128x32xf32, #tpu.memory_space<vmem>>
      %dma_wait3A_388 = tpu.memref_slice %arg10[%add3A_225] : memref<5120xi32, #tpu.memory_space<vmem>> -> memref<128xi32, #tpu.memory_space<vmem>>
      %dma_wait3A_389 = arith.constant 0 : i32
      %dma_wait3A_390 = arith.constant 0 : i32
      %dma_wait3A_391 = tpu.memref_slice %arg2[%dma_wait3A_389, %dma_wait3A_390] : memref<400000x32xf32, #tpu.memory_space<hbm>> -> memref<400000x32xf32, #tpu.memory_space<hbm>>
      tpu.wait_indirect_dma semaphore(%arg14 : memref<!tpu.dma_semaphore, #tpu.memory_space<semaphore_mem>>) src(%dma_wait3A_391 : memref<400000x32xf32, #tpu.memory_space<hbm>>) dst(%dma_wait3A_387 : memref<128x32xf32, #tpu.memory_space<vmem>>)
      %dma_wait3A_392 = arith.constant 128 : i32
      %dma_wait3A_393 = arith.constant 0 : i32
      %dma_wait3A_394 = tpu.memref_slice %arg12[%dma_wait3A_392, %dma_wait3A_393] : memref<1280x32xf32, #tpu.memory_space<vmem>> -> memref<128x32xf32, #tpu.memory_space<vmem>>
      %dma_wait3A_395 = tpu.memref_slice %arg10[%add3A_234] : memref<5120xi32, #tpu.memory_space<vmem>> -> memref<128xi32, #tpu.memory_space<vmem>>
      %dma_wait3A_396 = arith.constant 0 : i32
      %dma_wait3A_397 = arith.constant 0 : i32
      %dma_wait3A_398 = tpu.memref_slice %arg2[%dma_wait3A_396, %dma_wait3A_397] : memref<400000x32xf32, #tpu.memory_space<hbm>> -> memref<400000x32xf32, #tpu.memory_space<hbm>>
      tpu.wait_indirect_dma semaphore(%arg14 : memref<!tpu.dma_semaphore, #tpu.memory_space<semaphore_mem>>) src(%dma_wait3A_398 : memref<400000x32xf32, #tpu.memory_space<hbm>>) dst(%dma_wait3A_394 : memref<128x32xf32, #tpu.memory_space<vmem>>)
      %dma_wait3A_399 = arith.constant 256 : i32
      %dma_wait3A_400 = arith.constant 0 : i32
      %dma_wait3A_401 = tpu.memref_slice %arg12[%dma_wait3A_399, %dma_wait3A_400] : memref<1280x32xf32, #tpu.memory_space<vmem>> -> memref<128x32xf32, #tpu.memory_space<vmem>>
      %dma_wait3A_402 = tpu.memref_slice %arg10[%add3A_243] : memref<5120xi32, #tpu.memory_space<vmem>> -> memref<128xi32, #tpu.memory_space<vmem>>
      %dma_wait3A_403 = arith.constant 0 : i32
      %dma_wait3A_404 = arith.constant 0 : i32
      %dma_wait3A_405 = tpu.memref_slice %arg2[%dma_wait3A_403, %dma_wait3A_404] : memref<400000x32xf32, #tpu.memory_space<hbm>> -> memref<400000x32xf32, #tpu.memory_space<hbm>>
      tpu.wait_indirect_dma semaphore(%arg14 : memref<!tpu.dma_semaphore, #tpu.memory_space<semaphore_mem>>) src(%dma_wait3A_405 : memref<400000x32xf32, #tpu.memory_space<hbm>>) dst(%dma_wait3A_401 : memref<128x32xf32, #tpu.memory_space<vmem>>)
      %dma_wait3A_406 = arith.constant 384 : i32
      %dma_wait3A_407 = arith.constant 0 : i32
      %dma_wait3A_408 = tpu.memref_slice %arg12[%dma_wait3A_406, %dma_wait3A_407] : memref<1280x32xf32, #tpu.memory_space<vmem>> -> memref<128x32xf32, #tpu.memory_space<vmem>>
      %dma_wait3A_409 = tpu.memref_slice %arg10[%add3A_252] : memref<5120xi32, #tpu.memory_space<vmem>> -> memref<128xi32, #tpu.memory_space<vmem>>
      %dma_wait3A_410 = arith.constant 0 : i32
      %dma_wait3A_411 = arith.constant 0 : i32
      %dma_wait3A_412 = tpu.memref_slice %arg2[%dma_wait3A_410, %dma_wait3A_411] : memref<400000x32xf32, #tpu.memory_space<hbm>> -> memref<400000x32xf32, #tpu.memory_space<hbm>>
      tpu.wait_indirect_dma semaphore(%arg14 : memref<!tpu.dma_semaphore, #tpu.memory_space<semaphore_mem>>) src(%dma_wait3A_412 : memref<400000x32xf32, #tpu.memory_space<hbm>>) dst(%dma_wait3A_408 : memref<128x32xf32, #tpu.memory_space<vmem>>)
      %dma_wait3A_413 = arith.constant 512 : i32
      %dma_wait3A_414 = arith.constant 0 : i32
      %dma_wait3A_415 = tpu.memref_slice %arg12[%dma_wait3A_413, %dma_wait3A_414] : memref<1280x32xf32, #tpu.memory_space<vmem>> -> memref<128x32xf32, #tpu.memory_space<vmem>>
      %dma_wait3A_416 = tpu.memref_slice %arg10[%add3A_261] : memref<5120xi32, #tpu.memory_space<vmem>> -> memref<128xi32, #tpu.memory_space<vmem>>
      %dma_wait3A_417 = arith.constant 0 : i32
      %dma_wait3A_418 = arith.constant 0 : i32
      %dma_wait3A_419 = tpu.memref_slice %arg2[%dma_wait3A_417, %dma_wait3A_418] : memref<400000x32xf32, #tpu.memory_space<hbm>> -> memref<400000x32xf32, #tpu.memory_space<hbm>>
      tpu.wait_indirect_dma semaphore(%arg14 : memref<!tpu.dma_semaphore, #tpu.memory_space<semaphore_mem>>) src(%dma_wait3A_419 : memref<400000x32xf32, #tpu.memory_space<hbm>>) dst(%dma_wait3A_415 : memref<128x32xf32, #tpu.memory_space<vmem>>)
      %dma_wait3A_420 = arith.constant 640 : i32
      %dma_wait3A_421 = arith.constant 0 : i32
      %dma_wait3A_422 = tpu.memref_slice %arg12[%dma_wait3A_420, %dma_wait3A_421] : memref<1280x32xf32, #tpu.memory_space<vmem>> -> memref<128x32xf32, #tpu.memory_space<vmem>>
      %dma_wait3A_423 = tpu.memref_slice %arg10[%add3A_270] : memref<5120xi32, #tpu.memory_space<vmem>> -> memref<128xi32, #tpu.memory_space<vmem>>
      %dma_wait3A_424 = arith.constant 0 : i32
      %dma_wait3A_425 = arith.constant 0 : i32
      %dma_wait3A_426 = tpu.memref_slice %arg2[%dma_wait3A_424, %dma_wait3A_425] : memref<400000x32xf32, #tpu.memory_space<hbm>> -> memref<400000x32xf32, #tpu.memory_space<hbm>>
      tpu.wait_indirect_dma semaphore(%arg14 : memref<!tpu.dma_semaphore, #tpu.memory_space<semaphore_mem>>) src(%dma_wait3A_426 : memref<400000x32xf32, #tpu.memory_space<hbm>>) dst(%dma_wait3A_422 : memref<128x32xf32, #tpu.memory_space<vmem>>)
      %dma_wait3A_427 = arith.constant 768 : i32
      %dma_wait3A_428 = arith.constant 0 : i32
      %dma_wait3A_429 = tpu.memref_slice %arg12[%dma_wait3A_427, %dma_wait3A_428] : memref<1280x32xf32, #tpu.memory_space<vmem>> -> memref<128x32xf32, #tpu.memory_space<vmem>>
      %dma_wait3A_430 = tpu.memref_slice %arg10[%add3A_279] : memref<5120xi32, #tpu.memory_space<vmem>> -> memref<128xi32, #tpu.memory_space<vmem>>
      %dma_wait3A_431 = arith.constant 0 : i32
      %dma_wait3A_432 = arith.constant 0 : i32
      %dma_wait3A_433 = tpu.memref_slice %arg2[%dma_wait3A_431, %dma_wait3A_432] : memref<400000x32xf32, #tpu.memory_space<hbm>> -> memref<400000x32xf32, #tpu.memory_space<hbm>>
      tpu.wait_indirect_dma semaphore(%arg14 : memref<!tpu.dma_semaphore, #tpu.memory_space<semaphore_mem>>) src(%dma_wait3A_433 : memref<400000x32xf32, #tpu.memory_space<hbm>>) dst(%dma_wait3A_429 : memref<128x32xf32, #tpu.memory_space<vmem>>)
      %dma_wait3A_434 = arith.constant 896 : i32
      %dma_wait3A_435 = arith.constant 0 : i32
      %dma_wait3A_436 = tpu.memref_slice %arg12[%dma_wait3A_434, %dma_wait3A_435] : memref<1280x32xf32, #tpu.memory_space<vmem>> -> memref<128x32xf32, #tpu.memory_space<vmem>>
      %dma_wait3A_437 = tpu.memref_slice %arg10[%add3A_288] : memref<5120xi32, #tpu.memory_space<vmem>> -> memref<128xi32, #tpu.memory_space<vmem>>
      %dma_wait3A_438 = arith.constant 0 : i32
      %dma_wait3A_439 = arith.constant 0 : i32
      %dma_wait3A_440 = tpu.memref_slice %arg2[%dma_wait3A_438, %dma_wait3A_439] : memref<400000x32xf32, #tpu.memory_space<hbm>> -> memref<400000x32xf32, #tpu.memory_space<hbm>>
      tpu.wait_indirect_dma semaphore(%arg14 : memref<!tpu.dma_semaphore, #tpu.memory_space<semaphore_mem>>) src(%dma_wait3A_440 : memref<400000x32xf32, #tpu.memory_space<hbm>>) dst(%dma_wait3A_436 : memref<128x32xf32, #tpu.memory_space<vmem>>)
      %dma_wait3A_441 = arith.constant 1024 : i32
      %dma_wait3A_442 = arith.constant 0 : i32
      %dma_wait3A_443 = tpu.memref_slice %arg12[%dma_wait3A_441, %dma_wait3A_442] : memref<1280x32xf32, #tpu.memory_space<vmem>> -> memref<128x32xf32, #tpu.memory_space<vmem>>
      %dma_wait3A_444 = tpu.memref_slice %arg10[%add3A_297] : memref<5120xi32, #tpu.memory_space<vmem>> -> memref<128xi32, #tpu.memory_space<vmem>>
      %dma_wait3A_445 = arith.constant 0 : i32
      %dma_wait3A_446 = arith.constant 0 : i32
      %dma_wait3A_447 = tpu.memref_slice %arg2[%dma_wait3A_445, %dma_wait3A_446] : memref<400000x32xf32, #tpu.memory_space<hbm>> -> memref<400000x32xf32, #tpu.memory_space<hbm>>
      tpu.wait_indirect_dma semaphore(%arg14 : memref<!tpu.dma_semaphore, #tpu.memory_space<semaphore_mem>>) src(%dma_wait3A_447 : memref<400000x32xf32, #tpu.memory_space<hbm>>) dst(%dma_wait3A_443 : memref<128x32xf32, #tpu.memory_space<vmem>>)
      %dma_wait3A_448 = arith.constant 1152 : i32
      %dma_wait3A_449 = arith.constant 0 : i32
      %dma_wait3A_450 = tpu.memref_slice %arg12[%dma_wait3A_448, %dma_wait3A_449] : memref<1280x32xf32, #tpu.memory_space<vmem>> -> memref<128x32xf32, #tpu.memory_space<vmem>>
      %dma_wait3A_451 = tpu.memref_slice %arg10[%add3A_306] : memref<5120xi32, #tpu.memory_space<vmem>> -> memref<128xi32, #tpu.memory_space<vmem>>
      %dma_wait3A_452 = arith.constant 0 : i32
      %dma_wait3A_453 = arith.constant 0 : i32
      %dma_wait3A_454 = tpu.memref_slice %arg2[%dma_wait3A_452, %dma_wait3A_453] : memref<400000x32xf32, #tpu.memory_space<hbm>> -> memref<400000x32xf32, #tpu.memory_space<hbm>>
      tpu.wait_indirect_dma semaphore(%arg14 : memref<!tpu.dma_semaphore, #tpu.memory_space<semaphore_mem>>) src(%dma_wait3A_454 : memref<400000x32xf32, #tpu.memory_space<hbm>>) dst(%dma_wait3A_450 : memref<128x32xf32, #tpu.memory_space<vmem>>)
      %add3A_455 = arith.addi %multiple_of3A_5, %add3A_133 : i32
      "tpu.region"() ({
        %run_scoped3A = tpu.sem_alloc : memref<!tpu.dma_semaphore, #tpu.memory_space<semaphore_mem>>
        %dma_start3A_456 = arith.constant 0 : i32
        %dma_start3A_457 = tpu.memref_slice %arg8[%add3A_455, %dma_start3A_456] : memref<163840x32xf32, #tpu.memory_space<hbm>> -> memref<1280x32xf32, #tpu.memory_space<hbm>>
        %dma_start3A_458 = arith.constant 0 : i32
        %dma_start3A_459 = tpu.memref_slice %arg8[%add3A_455, %dma_start3A_458] : memref<163840x32xf32, #tpu.memory_space<hbm>> -> memref<1280x32xf32, #tpu.memory_space<hbm>>
        tpu.enqueue_dma source(%arg12 : memref<1280x32xf32, #tpu.memory_space<vmem>>) target(%dma_start3A_459 : memref<1280x32xf32, #tpu.memory_space<hbm>>) target_semaphore(%run_scoped3A : memref<!tpu.dma_semaphore, #tpu.memory_space<semaphore_mem>>)
        %dma_wait3A_460 = arith.constant 0 : i32
        %dma_wait3A_461 = tpu.memref_slice %arg8[%add3A_455, %dma_wait3A_460] : memref<163840x32xf32, #tpu.memory_space<hbm>> -> memref<1280x32xf32, #tpu.memory_space<hbm>>
        %dma_wait3A_462 = arith.constant 0 : i32
        %dma_wait3A_463 = tpu.memref_slice %arg8[%add3A_455, %dma_wait3A_462] : memref<163840x32xf32, #tpu.memory_space<hbm>> -> memref<1280x32xf32, #tpu.memory_space<hbm>>
        tpu.wait_dma2 semaphore(%run_scoped3A : memref<!tpu.dma_semaphore, #tpu.memory_space<semaphore_mem>>) src(%arg12 : memref<1280x32xf32, #tpu.memory_space<vmem>>) dst(%dma_wait3A_463 : memref<1280x32xf32, #tpu.memory_space<hbm>>)
        tpu.yield
      }) : () -> ()
    }
    %scan3A_127 = arith.constant 2 : i32
    return
  }
}

module attributes {stable_mosaic.version = 14 : i64} {
  func.func @_tr_body(%arg0: i32, %arg1: memref<10240x16xi32, #tpu.memory_space<vmem>>, %arg2: memref<10240x16xi32, #tpu.memory_space<vmem>>, %arg3: memref<16x10240xi32, #tpu.memory_space<vmem>>, %arg4: memref<16x10240xi32, #tpu.memory_space<vmem>>) attributes {dimension_semantics = [#tpu.dimension_semantics<arbitrary>], iteration_bounds = array<i64: 1>, scalar_prefetch = 0 : i64, scratch_operands = 0 : i64, tpu.core_type = #tpu.core_type<tc>, window_params = [{transform_indices = @transform_0, window_bounds = array<i64: 10240, 16>}, {transform_indices = @transform_1, window_bounds = array<i64: 10240, 16>}, {pipeline_mode = #tpu.pipeline_mode<synchronous>, transform_indices = @transform_2, window_bounds = array<i64: 16, 10240>}, {pipeline_mode = #tpu.pipeline_mode<synchronous>, transform_indices = @transform_3, window_bounds = array<i64: 16, 10240>}]} {
    %iota3A = tpu.iota {dimensions = array<i32: 0>} : vector<10240x16xi32>
    %lt3A = arith.constant 10000 : i32
    %lt3A_0 = vector.broadcast %lt3A : i32 to vector<10240x16xi32>
    %lt3A_1 = arith.cmpi slt, %iota3A, %lt3A_0 : vector<10240x16xi32>
    %get3A = arith.constant 0 : index
    %get3A_2 = arith.constant 0 : index
    %get3A_3 = vector.load %arg1[%get3A, %get3A_2] : memref<10240x16xi32, #tpu.memory_space<vmem>>, vector<10240x16xi32>
    %jit3A = arith.constant 0 : i32
    %broadcast_in_dim3A = vector.broadcast %jit3A : i32 to vector<10240x16xi32>
    %select_n3A = arith.select %lt3A_1, %get3A_3, %broadcast_in_dim3A : vector<10240x16xi1>, vector<10240x16xi32>
    %lt3A_4 = arith.constant 10000 : i32
    %lt3A_5 = vector.broadcast %lt3A_4 : i32 to vector<10240x16xi32>
    %lt3A_6 = arith.cmpi slt, %iota3A, %lt3A_5 : vector<10240x16xi32>
    %get3A_7 = arith.constant 0 : index
    %get3A_8 = arith.constant 0 : index
    %get3A_9 = vector.load %arg2[%get3A_7, %get3A_8] : memref<10240x16xi32, #tpu.memory_space<vmem>>, vector<10240x16xi32>
    %jit3A_10 = arith.constant 0 : i32
    %broadcast_in_dim3A_11 = vector.broadcast %jit3A_10 : i32 to vector<10240x16xi32>
    %select_n3A_12 = arith.select %lt3A_6, %get3A_9, %broadcast_in_dim3A_11 : vector<10240x16xi1>, vector<10240x16xi32>
    %transpose3A = tpu.transpose %select_n3A, [1, 0] : vector<10240x16xi32> -> vector<16x10240xi32>
    %mul3A = arith.constant 4 : i32
    %mul3A_13 = vector.broadcast %mul3A : i32 to vector<16x10240xi32>
    %mul3A_14 = arith.muli %transpose3A, %mul3A_13 : vector<16x10240xi32>
    %swap3A = arith.constant 0 : index
    %swap3A_15 = arith.constant 0 : index
    %swap3A_16 = vector.load %arg3[%swap3A, %swap3A_15] : memref<16x10240xi32, #tpu.memory_space<vmem>>, vector<16x10240xi32>
    tpu.vector_store %arg3[%swap3A, %swap3A_15], %mul3A_14 {strides = array<i32>} : memref<16x10240xi32, #tpu.memory_space<vmem>>, vector<16x10240xi32>,
    %transpose3A_17 = tpu.transpose %select_n3A_12, [1, 0] : vector<10240x16xi32> -> vector<16x10240xi32>
    %mul3A_18 = arith.constant 4 : i32
    %mul3A_19 = vector.broadcast %mul3A_18 : i32 to vector<16x10240xi32>
    %mul3A_20 = arith.muli %transpose3A_17, %mul3A_19 : vector<16x10240xi32>
    %add3A = arith.constant 1 : i32
    %add3A_21 = vector.broadcast %add3A : i32 to vector<16x10240xi32>
    %add3A_22 = arith.addi %mul3A_20, %add3A_21 : vector<16x10240xi32>
    %swap3A_23 = arith.constant 0 : index
    %swap3A_24 = arith.constant 0 : index
    %swap3A_25 = vector.load %arg4[%swap3A_23, %swap3A_24] : memref<16x10240xi32, #tpu.memory_space<vmem>>, vector<16x10240xi32>
    tpu.vector_store %arg4[%swap3A_23, %swap3A_24], %add3A_22 {strides = array<i32>} : memref<16x10240xi32, #tpu.memory_space<vmem>>, vector<16x10240xi32>,
    return
  }
  func.func @transform_0(%arg0: i32) -> (i32, i32) {
    %c0_i32 = arith.constant 0 : i32
    %c0_i32_0 = arith.constant 0 : i32
    %c0_i32_1 = arith.constant 0 : i32
    return %c0_i32, %c0_i32_0 : i32, i32
  }
  func.func @transform_1(%arg0: i32) -> (i32, i32) {
    %c0_i32 = arith.constant 0 : i32
    %c0_i32_0 = arith.constant 0 : i32
    %c0_i32_1 = arith.constant 0 : i32
    return %c0_i32, %c0_i32_0 : i32, i32
  }
  func.func @transform_2(%arg0: i32) -> (i32, i32) {
    %c0_i32 = arith.constant 0 : i32
    %c0_i32_0 = arith.constant 0 : i32
    %c0_i32_1 = arith.constant 0 : i32
    return %c0_i32, %c0_i32_0 : i32, i32
  }
  func.func @transform_3(%arg0: i32) -> (i32, i32) {
    %c0_i32 = arith.constant 0 : i32
    %c0_i32_0 = arith.constant 0 : i32
    %c0_i32_1 = arith.constant 0 : i32
    return %c0_i32, %c0_i32_0 : i32, i32
  }
}

module attributes {stable_mosaic.version = 14 : i64} {
  func.func @_proj_body(%arg0: i32, %arg1: memref<2000x128xf32, #tpu.memory_space<vmem>>, %arg2: memref<128x32xf32, #tpu.memory_space<vmem>>, %arg3: memref<128x32xf32, #tpu.memory_space<vmem>>, %arg4: memref<2000x128xf32, #tpu.memory_space<vmem>>) attributes {dimension_semantics = [#tpu.dimension_semantics<arbitrary>], iteration_bounds = array<i64: 50>, scalar_prefetch = 0 : i64, scratch_operands = 0 : i64, tpu.core_type = #tpu.core_type<tc>, window_params = [{transform_indices = @transform_0, window_bounds = array<i64: 2000, 128>}, {pipeline_mode = #tpu.pipeline_mode<synchronous>, transform_indices = @transform_1, window_bounds = array<i64: 128, 32>}, {pipeline_mode = #tpu.pipeline_mode<synchronous>, transform_indices = @transform_2, window_bounds = array<i64: 128, 32>}, {transform_indices = @transform_3, window_bounds = array<i64: 2000, 128>}]} {
    %get3A = arith.constant 0 : index
    %get3A_0 = arith.constant 0 : index
    %get3A_1 = vector.load %arg1[%get3A, %get3A_0] : memref<2000x128xf32, #tpu.memory_space<vmem>>, vector<2000x128xf32>
    %get3A_2 = arith.constant 0 : index
    %get3A_3 = arith.constant 0 : index
    %get3A_4 = vector.load %arg2[%get3A_2, %get3A_3] : memref<128x32xf32, #tpu.memory_space<vmem>>, vector<128x32xf32>
    %dot_general3A = arith.constant dense<0.000000e+00> : vector<2000x32xf32>
    %dot_general3A_5 = tpu.matmul %get3A_1, %get3A_4, %dot_general3A {dimension_numbers = #tpu.dot_dimension_numbers<[1], [0], [0], [1], [0, 0, 1, 1], [], []>, transpose_lhs_hint = false} : vector<2000x128xf32>, vector<128x32xf32>, vector<2000x32xf32> -> vector<2000x32xf32>
    %get3A_6 = arith.constant 0 : index
    %get3A_7 = arith.constant 0 : index
    %get3A_8 = vector.load %arg3[%get3A_6, %get3A_7] : memref<128x32xf32, #tpu.memory_space<vmem>>, vector<128x32xf32>
    %dot_general3A_9 = arith.constant dense<0.000000e+00> : vector<2000x32xf32>
    %dot_general3A_10 = tpu.matmul %get3A_1, %get3A_8, %dot_general3A_9 {dimension_numbers = #tpu.dot_dimension_numbers<[1], [0], [0], [1], [0, 0, 1, 1], [], []>, transpose_lhs_hint = false} : vector<2000x128xf32>, vector<128x32xf32>, vector<2000x32xf32> -> vector<2000x32xf32>
    %broadcast_in_dim3A = arith.constant 0.000000e+00 : f32
    %broadcast_in_dim3A_11 = vector.broadcast %broadcast_in_dim3A : f32 to vector<2000x64xf32>
    %concatenate3A = tpu.concatenate %dot_general3A_5, %dot_general3A_10, %broadcast_in_dim3A_11 in 1 : vector<2000x32xf32>, vector<2000x32xf32>, vector<2000x64xf32> -> vector<2000x128xf32>
    %swap3A = arith.constant 0 : index
    %swap3A_12 = arith.constant 0 : index
    %swap3A_13 = vector.load %arg4[%swap3A, %swap3A_12] : memref<2000x128xf32, #tpu.memory_space<vmem>>, vector<2000x128xf32>
    tpu.vector_store %arg4[%swap3A, %swap3A_12], %concatenate3A {strides = array<i32>} : memref<2000x128xf32, #tpu.memory_space<vmem>>, vector<2000x128xf32>,
    return
  }
  func.func @transform_0(%arg0: i32) -> (i32, i32) {
    %c0_i32 = arith.constant 0 : i32
    %c0_i32_0 = arith.constant 0 : i32
    return %arg0, %c0_i32 : i32, i32
  }
  func.func @transform_1(%arg0: i32) -> (i32, i32) {
    %c0_i32 = arith.constant 0 : i32
    %c0_i32_0 = arith.constant 0 : i32
    %c0_i32_1 = arith.constant 0 : i32
    return %c0_i32, %c0_i32_0 : i32, i32
  }
  func.func @transform_2(%arg0: i32) -> (i32, i32) {
    %c0_i32 = arith.constant 0 : i32
    %c0_i32_0 = arith.constant 0 : i32
    %c0_i32_1 = arith.constant 0 : i32
    return %c0_i32, %c0_i32_0 : i32, i32
  }
  func.func @transform_3(%arg0: i32) -> (i32, i32) {
    %c0_i32 = arith.constant 0 : i32
    %c0_i32_0 = arith.constant 0 : i32
    return %arg0, %c0_i32 : i32, i32
  }
}

module attributes {stable_mosaic.version = 14 : i64} {
  func.func @_lambda_(%arg0: i32, %arg1: memref<2560x128xf32, #tpu.memory_space<vmem>>, %arg2: memref<2560x128xf32, #tpu.memory_space<vmem>>, %arg3: memref<2560x128xf32, #tpu.memory_space<vmem>>, %arg4: memref<2560x128xf32, #tpu.memory_space<vmem>>, %arg5: memref<128x4xf32, #tpu.memory_space<vmem>>, %arg6: memref<128x4xf32, #tpu.memory_space<vmem>>, %arg7: memref<128x4xf32, #tpu.memory_space<vmem>>, %arg8: memref<128x4xf32, #tpu.memory_space<vmem>>, %arg9: memref<2500x128xf32, #tpu.memory_space<vmem>>, %arg10: memref<2500x128xf32, #tpu.memory_space<vmem>>, %arg11: memref<2560x4xf32, #tpu.memory_space<vmem>>, %arg12: memref<2560x4xf32, #tpu.memory_space<vmem>>, %arg13: memref<2560x4xf32, #tpu.memory_space<vmem>>, %arg14: memref<2560x4xf32, #tpu.memory_space<vmem>>) attributes {dimension_semantics = [#tpu.dimension_semantics<arbitrary>], iteration_bounds = array<i64: 16>, scalar_prefetch = 0 : i64, scratch_operands = 4 : i64, tpu.core_type = #tpu.core_type<tc>, window_params = [{transform_indices = @transform_0, window_bounds = array<i64: 2560, 128>}, {transform_indices = @transform_1, window_bounds = array<i64: 2560, 128>}, {transform_indices = @transform_2, window_bounds = array<i64: 2560, 128>}, {transform_indices = @transform_3, window_bounds = array<i64: 2560, 128>}, {pipeline_mode = #tpu.pipeline_mode<synchronous>, transform_indices = @transform_4, window_bounds = array<i64: 128, 4>}, {pipeline_mode = #tpu.pipeline_mode<synchronous>, transform_indices = @transform_5, window_bounds = array<i64: 128, 4>}, {pipeline_mode = #tpu.pipeline_mode<synchronous>, transform_indices = @transform_6, window_bounds = array<i64: 128, 4>}, {pipeline_mode = #tpu.pipeline_mode<synchronous>, transform_indices = @transform_7, window_bounds = array<i64: 128, 4>}, {pipeline_mode = #tpu.pipeline_mode<synchronous>, transform_indices = @transform_8, window_bounds = array<i64: 2500, 128>}, {pipeline_mode = #tpu.pipeline_mode<synchronous>, transform_indices = @transform_9, window_bounds = array<i64: 2500, 128>}]} {
    %iota3A = tpu.iota {dimensions = array<i32: 1>} : vector<4x128xi32>
    %jit3A = arith.constant 32 : i32
    %div3A = vector.broadcast %jit3A : i32 to vector<4x128xi32>
    %div3A_0 = arith.divsi %iota3A, %div3A : vector<4x128xi32>
    %sign3A = arith.constant 0 : i32
    %sign3A_1 = vector.broadcast %sign3A : i32 to vector<4x128xi32>
    %sign3A_2 = arith.cmpi sgt, %iota3A, %sign3A_1 : vector<4x128xi32>
    %sign3A_3 = arith.extui %sign3A_2 : vector<4x128xi1> to vector<4x128xi32>
    %sign3A_4 = arith.constant 0 : i32
    %sign3A_5 = vector.broadcast %sign3A_4 : i32 to vector<4x128xi32>
    %sign3A_6 = arith.cmpi slt, %iota3A, %sign3A_5 : vector<4x128xi32>
    %sign3A_7 = arith.extui %sign3A_6 : vector<4x128xi1> to vector<4x128xi32>
    %sign3A_8 = arith.subi %sign3A_3, %sign3A_7 : vector<4x128xi32>
    %sign3A_9 = arith.constant 0 : i32
    %sign3A_10 = arith.cmpi sgt, %jit3A, %sign3A_9 : i32
    %sign3A_11 = arith.extui %sign3A_10 : i1 to i32
    %sign3A_12 = arith.constant 0 : i32
    %sign3A_13 = arith.cmpi slt, %jit3A, %sign3A_12 : i32
    %sign3A_14 = arith.extui %sign3A_13 : i1 to i32
    %sign3A_15 = arith.subi %sign3A_11, %sign3A_14 : i32
    %ne3A = vector.broadcast %sign3A_15 : i32 to vector<4x128xi32>
    %ne3A_16 = arith.cmpi ne, %sign3A_8, %ne3A : vector<4x128xi32>
    %rem3A = vector.broadcast %jit3A : i32 to vector<4x128xi32>
    %rem3A_17 = arith.remsi %iota3A, %rem3A : vector<4x128xi32>
    %ne3A_18 = arith.constant 0 : i32
    %ne3A_19 = vector.broadcast %ne3A_18 : i32 to vector<4x128xi32>
    %ne3A_20 = arith.cmpi ne, %rem3A_17, %ne3A_19 : vector<4x128xi32>
    %and3A = arith.andi %ne3A_16, %ne3A_20 : vector<4x128xi1>
    %sub3A = arith.constant 1 : i32
    %sub3A_21 = vector.broadcast %sub3A : i32 to vector<4x128xi32>
    %sub3A_22 = arith.subi %div3A_0, %sub3A_21 : vector<4x128xi32>
    %select_n3A = arith.select %and3A, %sub3A_22, %div3A_0 : vector<4x128xi1>, vector<4x128xi32>
    %iota3A_23 = tpu.iota {dimensions = array<i32: 0>} : vector<4x128xi32>
    %eq3A = arith.cmpi eq, %select_n3A, %iota3A_23 : vector<4x128xi32>
    %convert_element_type3A = arith.extui %eq3A : vector<4x128xi1> to vector<4x128xi32>
    %convert_element_type3A_24 = arith.sitofp %convert_element_type3A : vector<4x128xi32> to vector<4x128xf32>
    %eq3A_25 = arith.constant 0 : i32
    %eq3A_26 = arith.cmpi eq, %arg0, %eq3A_25 : i32
    %convert_element_type3A_27 = arith.extui %eq3A_26 : i1 to i32
    %cond3A = arith.constant 0 : i32
    %cond3A_28 = arith.cmpi ne, %convert_element_type3A_27, %cond3A : i32
    scf.if %cond3A_28 {
      %get3A_107 = arith.constant 0 : index
      %get3A_108 = arith.constant 0 : index
      %get3A_109 = vector.load %arg1[%get3A_107, %get3A_108] : memref<2560x128xf32, #tpu.memory_space<vmem>>, vector<2560x128xf32>
      %get3A_110 = arith.constant 0 : index
      %get3A_111 = arith.constant 0 : index
      %get3A_112 = vector.load %arg5[%get3A_110, %get3A_111] : memref<128x4xf32, #tpu.memory_space<vmem>>, vector<128x4xf32>
      %dot_general3A_113 = arith.constant dense<0.000000e+00> : vector<2560x4xf32>
      %dot_general3A_114 = tpu.matmul %get3A_109, %get3A_112, %dot_general3A_113 {dimension_numbers = #tpu.dot_dimension_numbers<[1], [0], [0], [1], [0, 0, 1, 1], [], []>, transpose_lhs_hint = false} : vector<2560x128xf32>, vector<128x4xf32>, vector<2560x4xf32> -> vector<2560x4xf32>
      %get3A_115 = arith.constant 0 : index
      %get3A_116 = arith.constant 0 : index
      %get3A_117 = vector.load %arg6[%get3A_115, %get3A_116] : memref<128x4xf32, #tpu.memory_space<vmem>>, vector<128x4xf32>
      %dot_general3A_118 = arith.constant dense<0.000000e+00> : vector<2560x4xf32>
      %dot_general3A_119 = tpu.matmul %get3A_109, %get3A_117, %dot_general3A_118 {dimension_numbers = #tpu.dot_dimension_numbers<[1], [0], [0], [1], [0, 0, 1, 1], [], []>, transpose_lhs_hint = false} : vector<2560x128xf32>, vector<128x4xf32>, vector<2560x4xf32> -> vector<2560x4xf32>
      %add3A_120 = arith.addf %dot_general3A_114, %dot_general3A_119 : vector<2560x4xf32>
      %ge3A_121 = arith.constant 0.000000e+00 : f32
      %ge3A_122 = vector.broadcast %ge3A_121 : f32 to vector<2560x4xf32>
      %ge3A_123 = arith.cmpf oge, %add3A_120, %ge3A_122 : vector<2560x4xf32>
      %mul3A_124 = arith.constant 2.000000e-01 : f32
      %mul3A_125 = vector.broadcast %mul3A_124 : f32 to vector<2560x4xf32>
      %mul3A_126 = arith.mulf %mul3A_125, %add3A_120 : vector<2560x4xf32>
      %select_n3A_127 = arith.select %ge3A_123, %add3A_120, %mul3A_126 : vector<2560x4xi1>, vector<2560x4xf32>
      %neg3A_128 = arith.constant 0.000000e+00 : f32
      %neg3A_129 = vector.broadcast %neg3A_128 : f32 to vector<2560x4xf32>
      %neg3A_130 = arith.subf %neg3A_129, %select_n3A_127 : vector<2560x4xf32>
      %exp3A_131 = math.exp %neg3A_130 : vector<2560x4xf32>
      %swap3A_132 = arith.constant 0 : index
      %swap3A_133 = arith.constant 0 : index
      %swap3A_134 = vector.load %arg11[%swap3A_132, %swap3A_133] : memref<2560x4xf32, #tpu.memory_space<vmem>>, vector<2560x4xf32>
      tpu.vector_store %arg11[%swap3A_132, %swap3A_133], %dot_general3A_114 {strides = array<i32>} : memref<2560x4xf32, #tpu.memory_space<vmem>>, vector<2560x4xf32>,
      %swap3A_135 = arith.constant 0 : index
      %swap3A_136 = arith.constant 0 : index
      %swap3A_137 = vector.load %arg13[%swap3A_135, %swap3A_136] : memref<2560x4xf32, #tpu.memory_space<vmem>>, vector<2560x4xf32>
      tpu.vector_store %arg13[%swap3A_135, %swap3A_136], %exp3A_131 {strides = array<i32>} : memref<2560x4xf32, #tpu.memory_space<vmem>>, vector<2560x4xf32>,
      %dot_general3A_138 = arith.constant dense<0.000000e+00> : vector<2560x128xf32>
      %dot_general3A_139 = tpu.matmul %exp3A_131, %convert_element_type3A_24, %dot_general3A_138 {dimension_numbers = #tpu.dot_dimension_numbers<[1], [0], [0], [1], [0, 0, 1, 1], [], []>, transpose_lhs_hint = false} : vector<2560x4xf32>, vector<4x128xf32>, vector<2560x128xf32> -> vector<2560x128xf32>
      %mul3A_140 = arith.mulf %dot_general3A_139, %get3A_109 : vector<2560x128xf32>
      %slice3A_141 = vector.extract_strided_slice %mul3A_140 {offsets = [0, 0], sizes = [2500, 128], strides = [1, 1]} : vector<2560x128xf32> to vector<2500x128xf32>
      %swap3A_142 = arith.constant 0 : index
      %swap3A_143 = arith.constant 0 : index
      %swap3A_144 = vector.load %arg9[%swap3A_142, %swap3A_143] : memref<2500x128xf32, #tpu.memory_space<vmem>>, vector<2500x128xf32>
      tpu.vector_store %arg9[%swap3A_142, %swap3A_143], %slice3A_141 {strides = array<i32>} : memref<2500x128xf32, #tpu.memory_space<vmem>>, vector<2500x128xf32>,
      %get3A_145 = arith.constant 0 : index
      %get3A_146 = arith.constant 0 : index
      %get3A_147 = vector.load %arg2[%get3A_145, %get3A_146] : memref<2560x128xf32, #tpu.memory_space<vmem>>, vector<2560x128xf32>
      %get3A_148 = arith.constant 0 : index
      %get3A_149 = arith.constant 0 : index
      %get3A_150 = vector.load %arg7[%get3A_148, %get3A_149] : memref<128x4xf32, #tpu.memory_space<vmem>>, vector<128x4xf32>
      %dot_general3A_151 = arith.constant dense<0.000000e+00> : vector<2560x4xf32>
      %dot_general3A_152 = tpu.matmul %get3A_147, %get3A_150, %dot_general3A_151 {dimension_numbers = #tpu.dot_dimension_numbers<[1], [0], [0], [1], [0, 0, 1, 1], [], []>, transpose_lhs_hint = false} : vector<2560x128xf32>, vector<128x4xf32>, vector<2560x4xf32> -> vector<2560x4xf32>
      %get3A_153 = arith.constant 0 : index
      %get3A_154 = arith.constant 0 : index
      %get3A_155 = vector.load %arg8[%get3A_153, %get3A_154] : memref<128x4xf32, #tpu.memory_space<vmem>>, vector<128x4xf32>
      %dot_general3A_156 = arith.constant dense<0.000000e+00> : vector<2560x4xf32>
      %dot_general3A_157 = tpu.matmul %get3A_147, %get3A_155, %dot_general3A_156 {dimension_numbers = #tpu.dot_dimension_numbers<[1], [0], [0], [1], [0, 0, 1, 1], [], []>, transpose_lhs_hint = false} : vector<2560x128xf32>, vector<128x4xf32>, vector<2560x4xf32> -> vector<2560x4xf32>
      %add3A_158 = arith.addf %dot_general3A_152, %dot_general3A_157 : vector<2560x4xf32>
      %ge3A_159 = arith.constant 0.000000e+00 : f32
      %ge3A_160 = vector.broadcast %ge3A_159 : f32 to vector<2560x4xf32>
      %ge3A_161 = arith.cmpf oge, %add3A_158, %ge3A_160 : vector<2560x4xf32>
      %mul3A_162 = arith.constant 2.000000e-01 : f32
      %mul3A_163 = vector.broadcast %mul3A_162 : f32 to vector<2560x4xf32>
      %mul3A_164 = arith.mulf %mul3A_163, %add3A_158 : vector<2560x4xf32>
      %select_n3A_165 = arith.select %ge3A_161, %add3A_158, %mul3A_164 : vector<2560x4xi1>, vector<2560x4xf32>
      %neg3A_166 = arith.constant 0.000000e+00 : f32
      %neg3A_167 = vector.broadcast %neg3A_166 : f32 to vector<2560x4xf32>
      %neg3A_168 = arith.subf %neg3A_167, %select_n3A_165 : vector<2560x4xf32>
      %exp3A_169 = math.exp %neg3A_168 : vector<2560x4xf32>
      %swap3A_170 = arith.constant 0 : index
      %swap3A_171 = arith.constant 0 : index
      %swap3A_172 = vector.load %arg12[%swap3A_170, %swap3A_171] : memref<2560x4xf32, #tpu.memory_space<vmem>>, vector<2560x4xf32>
      tpu.vector_store %arg12[%swap3A_170, %swap3A_171], %dot_general3A_152 {strides = array<i32>} : memref<2560x4xf32, #tpu.memory_space<vmem>>, vector<2560x4xf32>,
      %swap3A_173 = arith.constant 0 : index
      %swap3A_174 = arith.constant 0 : index
      %swap3A_175 = vector.load %arg14[%swap3A_173, %swap3A_174] : memref<2560x4xf32, #tpu.memory_space<vmem>>, vector<2560x4xf32>
      tpu.vector_store %arg14[%swap3A_173, %swap3A_174], %exp3A_169 {strides = array<i32>} : memref<2560x4xf32, #tpu.memory_space<vmem>>, vector<2560x4xf32>,
      %dot_general3A_176 = arith.constant dense<0.000000e+00> : vector<2560x128xf32>
      %dot_general3A_177 = tpu.matmul %exp3A_169, %convert_element_type3A_24, %dot_general3A_176 {dimension_numbers = #tpu.dot_dimension_numbers<[1], [0], [0], [1], [0, 0, 1, 1], [], []>, transpose_lhs_hint = false} : vector<2560x4xf32>, vector<4x128xf32>, vector<2560x128xf32> -> vector<2560x128xf32>
      %mul3A_178 = arith.mulf %dot_general3A_177, %get3A_147 : vector<2560x128xf32>
      %slice3A_179 = vector.extract_strided_slice %mul3A_178 {offsets = [0, 0], sizes = [2500, 128], strides = [1, 1]} : vector<2560x128xf32> to vector<2500x128xf32>
      %swap3A_180 = arith.constant 0 : index
      %swap3A_181 = arith.constant 0 : index
      %swap3A_182 = vector.load %arg10[%swap3A_180, %swap3A_181] : memref<2500x128xf32, #tpu.memory_space<vmem>>, vector<2500x128xf32>
      tpu.vector_store %arg10[%swap3A_180, %swap3A_181], %slice3A_179 {strides = array<i32>} : memref<2500x128xf32, #tpu.memory_space<vmem>>, vector<2500x128xf32>,
    } else {
    }
    %get3A = arith.constant 0 : index
    %get3A_29 = arith.constant 0 : index
    %get3A_30 = vector.load %arg3[%get3A, %get3A_29] : memref<2560x128xf32, #tpu.memory_space<vmem>>, vector<2560x128xf32>
    %get3A_31 = arith.constant 0 : index
    %get3A_32 = arith.constant 0 : index
    %get3A_33 = vector.load %arg11[%get3A_31, %get3A_32] : memref<2560x4xf32, #tpu.memory_space<vmem>>, vector<2560x4xf32>
    %get3A_34 = arith.constant 0 : index
    %get3A_35 = arith.constant 0 : index
    %get3A_36 = vector.load %arg6[%get3A_34, %get3A_35] : memref<128x4xf32, #tpu.memory_space<vmem>>, vector<128x4xf32>
    %dot_general3A = arith.constant dense<0.000000e+00> : vector<2560x4xf32>
    %dot_general3A_37 = tpu.matmul %get3A_30, %get3A_36, %dot_general3A {dimension_numbers = #tpu.dot_dimension_numbers<[1], [0], [0], [1], [0, 0, 1, 1], [], []>, transpose_lhs_hint = false} : vector<2560x128xf32>, vector<128x4xf32>, vector<2560x4xf32> -> vector<2560x4xf32>
    %add3A = arith.addf %get3A_33, %dot_general3A_37 : vector<2560x4xf32>
    %ge3A = arith.constant 0.000000e+00 : f32
    %ge3A_38 = vector.broadcast %ge3A : f32 to vector<2560x4xf32>
    %ge3A_39 = arith.cmpf oge, %add3A, %ge3A_38 : vector<2560x4xf32>
    %mul3A = arith.constant 2.000000e-01 : f32
    %mul3A_40 = vector.broadcast %mul3A : f32 to vector<2560x4xf32>
    %mul3A_41 = arith.mulf %mul3A_40, %add3A : vector<2560x4xf32>
    %select_n3A_42 = arith.select %ge3A_39, %add3A, %mul3A_41 : vector<2560x4xi1>, vector<2560x4xf32>
    %neg3A = arith.constant 0.000000e+00 : f32
    %neg3A_43 = vector.broadcast %neg3A : f32 to vector<2560x4xf32>
    %neg3A_44 = arith.subf %neg3A_43, %select_n3A_42 : vector<2560x4xf32>
    %exp3A = math.exp %neg3A_44 : vector<2560x4xf32>
    %get3A_45 = arith.constant 0 : index
    %get3A_46 = arith.constant 0 : index
    %get3A_47 = vector.load %arg13[%get3A_45, %get3A_46] : memref<2560x4xf32, #tpu.memory_space<vmem>>, vector<2560x4xf32>
    %add3A_48 = arith.addf %get3A_47, %exp3A : vector<2560x4xf32>
    %swap3A = arith.constant 0 : index
    %swap3A_49 = arith.constant 0 : index
    %swap3A_50 = vector.load %arg13[%swap3A, %swap3A_49] : memref<2560x4xf32, #tpu.memory_space<vmem>>, vector<2560x4xf32>
    tpu.vector_store %arg13[%swap3A, %swap3A_49], %add3A_48 {strides = array<i32>} : memref<2560x4xf32, #tpu.memory_space<vmem>>, vector<2560x4xf32>,
    %get3A_51 = arith.constant 0 : index
    %get3A_52 = arith.constant 0 : index
    %get3A_53 = vector.load %arg9[%get3A_51, %get3A_52] : memref<2500x128xf32, #tpu.memory_space<vmem>>, vector<2500x128xf32>
    %dot_general3A_54 = arith.constant dense<0.000000e+00> : vector<2560x128xf32>
    %dot_general3A_55 = tpu.matmul %exp3A, %convert_element_type3A_24, %dot_general3A_54 {dimension_numbers = #tpu.dot_dimension_numbers<[1], [0], [0], [1], [0, 0, 1, 1], [], []>, transpose_lhs_hint = false} : vector<2560x4xf32>, vector<4x128xf32>, vector<2560x128xf32> -> vector<2560x128xf32>
    %mul3A_56 = arith.mulf %dot_general3A_55, %get3A_30 : vector<2560x128xf32>
    %slice3A = vector.extract_strided_slice %mul3A_56 {offsets = [0, 0], sizes = [2500, 128], strides = [1, 1]} : vector<2560x128xf32> to vector<2500x128xf32>
    %add3A_57 = arith.addf %get3A_53, %slice3A : vector<2500x128xf32>
    %swap3A_58 = arith.constant 0 : index
    %swap3A_59 = arith.constant 0 : index
    %swap3A_60 = vector.load %arg9[%swap3A_58, %swap3A_59] : memref<2500x128xf32, #tpu.memory_space<vmem>>, vector<2500x128xf32>
    tpu.vector_store %arg9[%swap3A_58, %swap3A_59], %add3A_57 {strides = array<i32>} : memref<2500x128xf32, #tpu.memory_space<vmem>>, vector<2500x128xf32>,
    %get3A_61 = arith.constant 0 : index
    %get3A_62 = arith.constant 0 : index
    %get3A_63 = vector.load %arg4[%get3A_61, %get3A_62] : memref<2560x128xf32, #tpu.memory_space<vmem>>, vector<2560x128xf32>
    %get3A_64 = arith.constant 0 : index
    %get3A_65 = arith.constant 0 : index
    %get3A_66 = vector.load %arg12[%get3A_64, %get3A_65] : memref<2560x4xf32, #tpu.memory_space<vmem>>, vector<2560x4xf32>
    %get3A_67 = arith.constant 0 : index
    %get3A_68 = arith.constant 0 : index
    %get3A_69 = vector.load %arg8[%get3A_67, %get3A_68] : memref<128x4xf32, #tpu.memory_space<vmem>>, vector<128x4xf32>
    %dot_general3A_70 = arith.constant dense<0.000000e+00> : vector<2560x4xf32>
    %dot_general3A_71 = tpu.matmul %get3A_63, %get3A_69, %dot_general3A_70 {dimension_numbers = #tpu.dot_dimension_numbers<[1], [0], [0], [1], [0, 0, 1, 1], [], []>, transpose_lhs_hint = false} : vector<2560x128xf32>, vector<128x4xf32>, vector<2560x4xf32> -> vector<2560x4xf32>
    %add3A_72 = arith.addf %get3A_66, %dot_general3A_71 : vector<2560x4xf32>
    %ge3A_73 = arith.constant 0.000000e+00 : f32
    %ge3A_74 = vector.broadcast %ge3A_73 : f32 to vector<2560x4xf32>
    %ge3A_75 = arith.cmpf oge, %add3A_72, %ge3A_74 : vector<2560x4xf32>
    %mul3A_76 = arith.constant 2.000000e-01 : f32
    %mul3A_77 = vector.broadcast %mul3A_76 : f32 to vector<2560x4xf32>
    %mul3A_78 = arith.mulf %mul3A_77, %add3A_72 : vector<2560x4xf32>
    %select_n3A_79 = arith.select %ge3A_75, %add3A_72, %mul3A_78 : vector<2560x4xi1>, vector<2560x4xf32>
    %neg3A_80 = arith.constant 0.000000e+00 : f32
    %neg3A_81 = vector.broadcast %neg3A_80 : f32 to vector<2560x4xf32>
    %neg3A_82 = arith.subf %neg3A_81, %select_n3A_79 : vector<2560x4xf32>
    %exp3A_83 = math.exp %neg3A_82 : vector<2560x4xf32>
    %get3A_84 = arith.constant 0 : index
    %get3A_85 = arith.constant 0 : index
    %get3A_86 = vector.load %arg14[%get3A_84, %get3A_85] : memref<2560x4xf32, #tpu.memory_space<vmem>>, vector<2560x4xf32>
    %add3A_87 = arith.addf %get3A_86, %exp3A_83 : vector<2560x4xf32>
    %swap3A_88 = arith.constant 0 : index
    %swap3A_89 = arith.constant 0 : index
    %swap3A_90 = vector.load %arg14[%swap3A_88, %swap3A_89] : memref<2560x4xf32, #tpu.memory_space<vmem>>, vector<2560x4xf32>
    tpu.vector_store %arg14[%swap3A_88, %swap3A_89], %add3A_87 {strides = array<i32>} : memref<2560x4xf32, #tpu.memory_space<vmem>>, vector<2560x4xf32>,
    %get3A_91 = arith.constant 0 : index
    %get3A_92 = arith.constant 0 : index
    %get3A_93 = vector.load %arg10[%get3A_91, %get3A_92] : memref<2500x128xf32, #tpu.memory_space<vmem>>, vector<2500x128xf32>
    %dot_general3A_94 = arith.constant dense<0.000000e+00> : vector<2560x128xf32>
    %dot_general3A_95 = tpu.matmul %exp3A_83, %convert_element_type3A_24, %dot_general3A_94 {dimension_numbers = #tpu.dot_dimension_numbers<[1], [0], [0], [1], [0, 0, 1, 1], [], []>, transpose_lhs_hint = false} : vector<2560x4xf32>, vector<4x128xf32>, vector<2560x128xf32> -> vector<2560x128xf32>
    %mul3A_96 = arith.mulf %dot_general3A_95, %get3A_63 : vector<2560x128xf32>
    %slice3A_97 = vector.extract_strided_slice %mul3A_96 {offsets = [0, 0], sizes = [2500, 128], strides = [1, 1]} : vector<2560x128xf32> to vector<2500x128xf32>
    %add3A_98 = arith.addf %get3A_93, %slice3A_97 : vector<2500x128xf32>
    %swap3A_99 = arith.constant 0 : index
    %swap3A_100 = arith.constant 0 : index
    %swap3A_101 = vector.load %arg10[%swap3A_99, %swap3A_100] : memref<2500x128xf32, #tpu.memory_space<vmem>>, vector<2500x128xf32>
    tpu.vector_store %arg10[%swap3A_99, %swap3A_100], %add3A_98 {strides = array<i32>} : memref<2500x128xf32, #tpu.memory_space<vmem>>, vector<2500x128xf32>,
    %eq3A_102 = arith.constant 15 : i32
    %eq3A_103 = arith.cmpi eq, %arg0, %eq3A_102 : i32
    %convert_element_type3A_104 = arith.extui %eq3A_103 : i1 to i32
    %cond3A_105 = arith.constant 0 : i32
    %cond3A_106 = arith.cmpi ne, %convert_element_type3A_104, %cond3A_105 : i32
    scf.if %cond3A_106 {
      %get3A_107 = arith.constant 0 : index
      %get3A_108 = arith.constant 0 : index
      %get3A_109 = vector.load %arg13[%get3A_107, %get3A_108] : memref<2560x4xf32, #tpu.memory_space<vmem>>, vector<2560x4xf32>
      %add3A_110 = arith.constant 1.000000e-16 : f32
      %add3A_111 = vector.broadcast %add3A_110 : f32 to vector<2560x4xf32>
      %add3A_112 = arith.addf %get3A_109, %add3A_111 : vector<2560x4xf32>
      %dot_general3A_113 = arith.constant dense<0.000000e+00> : vector<2560x128xf32>
      %dot_general3A_114 = tpu.matmul %add3A_112, %convert_element_type3A_24, %dot_general3A_113 {dimension_numbers = #tpu.dot_dimension_numbers<[1], [0], [0], [1], [0, 0, 1, 1], [], []>, transpose_lhs_hint = false} : vector<2560x4xf32>, vector<4x128xf32>, vector<2560x128xf32> -> vector<2560x128xf32>
      %get3A_115 = arith.constant 0 : index
      %get3A_116 = arith.constant 0 : index
      %get3A_117 = vector.load %arg9[%get3A_115, %get3A_116] : memref<2500x128xf32, #tpu.memory_space<vmem>>, vector<2500x128xf32>
      %slice3A_118 = vector.extract_strided_slice %dot_general3A_114 {offsets = [0, 0], sizes = [2500, 128], strides = [1, 1]} : vector<2560x128xf32> to vector<2500x128xf32>
      %div3A_119 = arith.divf %get3A_117, %slice3A_118 : vector<2500x128xf32>
      %gt3A = arith.constant 0.000000e+00 : f32
      %gt3A_120 = vector.broadcast %gt3A : f32 to vector<2500x128xf32>
      %gt3A_121 = arith.cmpf ogt, %div3A_119, %gt3A_120 : vector<2500x128xf32>
      %exp3A_122 = math.exp %div3A_119 : vector<2500x128xf32>
      %sub3A_123 = arith.constant 1.000000e+00 : f32
      %sub3A_124 = vector.broadcast %sub3A_123 : f32 to vector<2500x128xf32>
      %sub3A_125 = arith.subf %exp3A_122, %sub3A_124 : vector<2500x128xf32>
      %select_n3A_126 = arith.select %gt3A_121, %div3A_119, %sub3A_125 : vector<2500x128xi1>, vector<2500x128xf32>
      %swap3A_127 = arith.constant 0 : index
      %swap3A_128 = arith.constant 0 : index
      %swap3A_129 = vector.load %arg9[%swap3A_127, %swap3A_128] : memref<2500x128xf32, #tpu.memory_space<vmem>>, vector<2500x128xf32>
      tpu.vector_store %arg9[%swap3A_127, %swap3A_128], %select_n3A_126 {strides = array<i32>} : memref<2500x128xf32, #tpu.memory_space<vmem>>, vector<2500x128xf32>,
      %get3A_130 = arith.constant 0 : index
      %get3A_131 = arith.constant 0 : index
      %get3A_132 = vector.load %arg14[%get3A_130, %get3A_131] : memref<2560x4xf32, #tpu.memory_space<vmem>>, vector<2560x4xf32>
      %add3A_133 = arith.constant 1.000000e-16 : f32
      %add3A_134 = vector.broadcast %add3A_133 : f32 to vector<2560x4xf32>
      %add3A_135 = arith.addf %get3A_132, %add3A_134 : vector<2560x4xf32>
      %dot_general3A_136 = arith.constant dense<0.000000e+00> : vector<2560x128xf32>
      %dot_general3A_137 = tpu.matmul %add3A_135, %convert_element_type3A_24, %dot_general3A_136 {dimension_numbers = #tpu.dot_dimension_numbers<[1], [0], [0], [1], [0, 0, 1, 1], [], []>, transpose_lhs_hint = false} : vector<2560x4xf32>, vector<4x128xf32>, vector<2560x128xf32> -> vector<2560x128xf32>
      %get3A_138 = arith.constant 0 : index
      %get3A_139 = arith.constant 0 : index
      %get3A_140 = vector.load %arg10[%get3A_138, %get3A_139] : memref<2500x128xf32, #tpu.memory_space<vmem>>, vector<2500x128xf32>
      %slice3A_141 = vector.extract_strided_slice %dot_general3A_137 {offsets = [0, 0], sizes = [2500, 128], strides = [1, 1]} : vector<2560x128xf32> to vector<2500x128xf32>
      %div3A_142 = arith.divf %get3A_140, %slice3A_141 : vector<2500x128xf32>
      %gt3A_143 = arith.constant 0.000000e+00 : f32
      %gt3A_144 = vector.broadcast %gt3A_143 : f32 to vector<2500x128xf32>
      %gt3A_145 = arith.cmpf ogt, %div3A_142, %gt3A_144 : vector<2500x128xf32>
      %exp3A_146 = math.exp %div3A_142 : vector<2500x128xf32>
      %sub3A_147 = arith.constant 1.000000e+00 : f32
      %sub3A_148 = vector.broadcast %sub3A_147 : f32 to vector<2500x128xf32>
      %sub3A_149 = arith.subf %exp3A_146, %sub3A_148 : vector<2500x128xf32>
      %select_n3A_150 = arith.select %gt3A_145, %div3A_142, %sub3A_149 : vector<2500x128xi1>, vector<2500x128xf32>
      %swap3A_151 = arith.constant 0 : index
      %swap3A_152 = arith.constant 0 : index
      %swap3A_153 = vector.load %arg10[%swap3A_151, %swap3A_152] : memref<2500x128xf32, #tpu.memory_space<vmem>>, vector<2500x128xf32>
      tpu.vector_store %arg10[%swap3A_151, %swap3A_152], %select_n3A_150 {strides = array<i32>} : memref<2500x128xf32, #tpu.memory_space<vmem>>, vector<2500x128xf32>,
    } else {
    }
    return
  }
  func.func @transform_0(%arg0: i32) -> (i32, i32) {
    %c0_i32 = arith.constant 0 : i32
    %c0_i32_0 = arith.constant 0 : i32
    %c0_i32_1 = arith.constant 0 : i32
    return %c0_i32, %c0_i32_0 : i32, i32
  }
  func.func @transform_1(%arg0: i32) -> (i32, i32) {
    %c1_i32 = arith.constant 1 : i32
    %c0_i32 = arith.constant 0 : i32
    %c0_i32_0 = arith.constant 0 : i32
    return %c1_i32, %c0_i32 : i32, i32
  }
  func.func @transform_2(%arg0: i32) -> (i32, i32) {
    %c0_i32 = arith.constant 0 : i32
    %c0_i32_0 = arith.constant 0 : i32
    return %arg0, %c0_i32 : i32, i32
  }
  func.func @transform_3(%arg0: i32) -> (i32, i32) {
    %c0_i32 = arith.constant 0 : i32
    %c0_i32_0 = arith.constant 0 : i32
    return %arg0, %c0_i32 : i32, i32
  }
  func.func @transform_4(%arg0: i32) -> (i32, i32) {
    %c0_i32 = arith.constant 0 : i32
    %c0_i32_0 = arith.constant 0 : i32
    %c0_i32_1 = arith.constant 0 : i32
    return %c0_i32, %c0_i32_0 : i32, i32
  }
  func.func @transform_5(%arg0: i32) -> (i32, i32) {
    %c0_i32 = arith.constant 0 : i32
    %c0_i32_0 = arith.constant 0 : i32
    %c0_i32_1 = arith.constant 0 : i32
    return %c0_i32, %c0_i32_0 : i32, i32
  }
  func.func @transform_6(%arg0: i32) -> (i32, i32) {
    %c0_i32 = arith.constant 0 : i32
    %c0_i32_0 = arith.constant 0 : i32
    %c0_i32_1 = arith.constant 0 : i32
    return %c0_i32, %c0_i32_0 : i32, i32
  }
  func.func @transform_7(%arg0: i32) -> (i32, i32) {
    %c0_i32 = arith.constant 0 : i32
    %c0_i32_0 = arith.constant 0 : i32
    %c0_i32_1 = arith.constant 0 : i32
    return %c0_i32, %c0_i32_0 : i32, i32
  }
  func.func @transform_8(%arg0: i32) -> (i32, i32) {
    %c0_i32 = arith.constant 0 : i32
    %c0_i32_0 = arith.constant 0 : i32
    %c0_i32_1 = arith.constant 0 : i32
    return %c0_i32, %c0_i32_0 : i32, i32
  }
  func.func @transform_9(%arg0: i32) -> (i32, i32) {
    %c0_i32 = arith.constant 0 : i32
    %c0_i32_0 = arith.constant 0 : i32
    %c0_i32_1 = arith.constant 0 : i32
    return %c0_i32, %c0_i32_0 : i32, i32
  }
}

</mosaic_0001>

<sc_bundles>
// kernel: kernel.6.cloned.1.call-start
scs
__scs_entry_jumppad:
0x0: {  	(pc) =	sbr.rel $0x88, $3  }
0x1: {  	(tag) =	ssettag $0x0;
	lr =	simm.s32 $0x1  }
0x2: {  	[smem:$0x3F99] =	sst lr;
	_ =	strace $0xD0000000  }
0x3: {  	_ = 	snop  }
0x4: {  	_ = 	snop  }
0x5: {  	_ = 	snop  }
0x6: {  	_ = 	snop  }
0x7: {  	_ = 	snop  }
__scs_overlays_trampoline_lowered:
0x8: {  	[smem:$0x3FA8] =	sst s0  }
0x9: {  	[smem:$0x3FA9] =	sst s1  }
0xa: {  	[smem:$0x3FAA] =	sst s2  }
0xb: {  	[smem:$0x3FAB] =	sst s3  }
0xc: {  	[smem:$0x3FAC] =	sst s4  }
0xd: {  	[smem:$0x3FAD] =	sst s5  }
0xe: {  	[smem:$0x3FAE] =	sst s6  }
0xf: {  	[smem:$0x3FAF] =	sst s7  }
0x10: {  	[smem:$0x3FB0] =	sst s8  }
0x11: {  	[smem:$0x3FB1] =	sst s9;
	s0 =	simm.s32 @!p0 $0x0  }
0x12: {  	s1 =	sld [smem:$0x3F97];
	s0 =	simm.s32 @p0 $0x1  }
0x13: {  	[smem:$0x3FB2] =	sst s0;
	s0 =	simm.s32 @!p1 $0x0  }
0x14: {  	s2 =	sld [smem:$0x3F96];
	s0 =	simm.s32 @p1 $0x1  }
0x15: {  	[smem:$0x3FB3] =	sst s0;
	s0 =	simm.s32 @!p2 $0x0  }
0x16: {  	s3 =	sld [smem:$0x3FDB];
	s0 =	simm.s32 @p2 $0x1  }
0x17: {  	s4 =	simm.s32 $0x1BF5;
	[smem:$0x3FB5] =	sst s0  }
0x18: {  	s0 =	sld [smem:$0x3F98];
	_ =	swait.ge [sflag:s4], $0x0  }
0x19: {  	s7 =	sld [smem:$0x3F99]  }
0x1a: {  	s8 =	sadd.s32 $0xFFFFE003, lr  }
0x1b: {  	s9 =	sadd.s32 $0xFFFFFEF7, lr;
	s5 =	simm.s32 $0xFFFFFFFF;
	p2 =	slt.u32 s8, $0xFFFFF086  }
0x1c: {  	p1 =	slt.u32 s9, $0xF7A;
	s5 =	simm.s32 @!p2 $0x0  }
0x1d: {  	s5 =	simm.s32 @p1 $0x1;
	p0 =	seq.s32 s7, s2  }
0x1e: {  	s7 =	smul.u32 @!p0 $0xF7A, s2;
	p2 =	seq.s32 @!p0 s5, $0x0  }
0x1f: {  	s9 =	smul.u32 $0xF7A, s1;
	s8 =	simm.s32 @!p0 $0x1BF5;
	p2 =	por !p2, p0  }
0x20: {  	[sflag:s8] =	ssyncset.s32 @!p0 $0xFFFFF086;
	s6 =	sadd.s32 @!p0 s3, s7;
	s7 =	simm.s32 @!p0 $0x108  }
0x21: {  	s3 =	sadd.s32 s3, s9;
	s6 =	sadd.s32 @!p0 $0x88, s6;
	s7 =	simm.s32 @p2 $0x1082  }
0x22: {  	[simem:s7], [sflag:s8] =	dma.local @!p0 [hbm:s6], $0xF7A  }
0x23: {  	s9 =	sor.u32 $0xD0000000, s2;
	s6 =	simm.s32 $0x108;
	_ =	swait.ge @!p0 [sflag:s8], $0x0  }
0x24: {  	s3 =	sadd.s32 $0x88, s3;
	s6 =	simm.s32 @!p1 $0x1082;
	[sflag:s4] =	ssyncset.s32 $0xFFFFF086  }
0x25: {  	[simem:s6], [sflag:s4] =	dma.local [hbm:s3], $0xF7A  }
0x26: {  	[smem:$0x3F99] =	sst s1;
	(tag) =	ssettag s2;
	_ =	strace s9  }
0x27: {  	s1 =	sld [smem:$0x3FA9]  }
0x28: {  	s2 =	sld [smem:$0x3FAA]  }
0x29: {  	s4 =	sld [smem:$0x3FAC]  }
0x2a: {  	p0 =	seq.s32 s5, $0x0;
	s5 =	sld [smem:$0x3FAD]  }
0x2b: {  	s6 =	sld [smem:$0x3FAE]  }
0x2c: {  	s7 =	sld [smem:$0x3FAF]  }
0x2d: {  	s3 =	simm.s32 $0x108;
	s8 =	sld [smem:$0x3FB0]  }
0x2e: {  	s3 =	simm.s32 @!p0 $0x1082;
	s9 =	sld [smem:$0x3FB1]  }
0x2f: {  	lr =	sadd.s32 s0, s3;
	s0 =	sld [smem:$0x3FA8]  }
0x30: {  	s3 =	sld [smem:$0x3FAB]  }
0x31: {  	[smem:$0x3FB4] =	sst s10  }
0x32: {  	s10 =	sld [smem:$0x3FB2];
	_ =	sdelay $0x3  }
0x33: {  	p0 =	seq.s32 s10, $0x1;
	s10 =	sld [smem:$0x3FB4];
	_ =	sdelay $0x3  }
0x34: {  	[smem:$0x3FB4] =	sst s10  }
0x35: {  	s10 =	sld [smem:$0x3FB3];
	_ =	sdelay $0x3  }
0x36: {  	p1 =	seq.s32 s10, $0x1;
	s10 =	sld [smem:$0x3FB4];
	_ =	sdelay $0x3  }
0x37: {  	[smem:$0x3FB4] =	sst s10  }
0x38: {  	s10 =	sld [smem:$0x3FB5]  }
0x39: {  	_ = 	snop;
	(pc) =	sbr.ind lr, $3  }
0x3a: {  	_ = 	snop  }
0x3b: {  	_ = 	snop  }
0x3c: {  	p2 =	seq.s32 s10, $0x1;
	s10 =	sld [smem:$0x3FB4]  }
0x3d: {  	_ =	shalt  }
0x3e: {  	_ =	shalt  }
0x3f: {  	_ =	shalt  }
0x40: {  	_ =	shalt  }
0x41: {  	_ =	shalt  }
0x42: {  	_ =	shalt  }
0x43: {  	_ =	shalt  }
0x44: {  	_ =	shalt  }
0x45: {  	_ =	shalt  }
0x46: {  	_ =	shalt  }
0x47: {  	_ =	shalt  }
0x48: {  	_ =	shalt  }
0x49: {  	_ =	shalt  }
0x4a: {  	_ =	shalt  }
0x4b: {  	_ =	shalt  }
0x4c: {  	_ =	shalt  }
0x4d: {  	_ =	shalt  }
0x4e: {  	_ =	shalt  }
0x4f: {  	_ =	shalt  }
0x50: {  	_ =	shalt  }
0x51: {  	_ =	shalt  }
0x52: {  	_ =	shalt  }
0x53: {  	_ =	shalt  }
0x54: {  	_ =	shalt  }
0x55: {  	_ =	shalt  }
0x56: {  	_ =	shalt  }
0x57: {  	_ =	shalt  }
0x58: {  	_ =	shalt  }
0x59: {  	_ =	shalt  }
0x5a: {  	_ =	shalt  }
0x5b: {  	_ =	shalt  }
0x5c: {  	_ =	shalt  }
0x5d: {  	_ =	shalt  }
0x5e: {  	_ =	shalt  }
0x5f: {  	_ =	shalt  }
0x60: {  	_ =	shalt  }
0x61: {  	_ =	shalt  }
0x62: {  	_ =	shalt  }
0x63: {  	_ =	shalt  }
0x64: {  	_ =	shalt  }
0x65: {  	_ =	shalt  }
0x66: {  	_ =	shalt  }
0x67: {  	_ =	shalt  }
0x68: {  	_ =	shalt  }
0x69: {  	_ =	shalt  }
0x6a: {  	_ =	shalt  }
0x6b: {  	_ =	shalt  }
0x6c: {  	_ =	shalt  }
0x6d: {  	_ =	shalt  }
0x6e: {  	_ =	shalt  }
0x6f: {  	_ =	shalt  }
0x70: {  	_ =	shalt  }
0x71: {  	_ =	shalt  }
0x72: {  	_ =	shalt  }
0x73: {  	_ =	shalt  }
0x74: {  	_ =	shalt  }
0x75: {  	_ =	shalt  }
0x76: {  	_ =	shalt  }
0x77: {  	_ =	shalt  }
0x78: {  	_ =	shalt  }
0x79: {  	_ =	shalt  }
0x7a: {  	_ =	shalt  }
0x7b: {  	_ =	shalt  }
0x7c: {  	_ =	shalt  }
0x7d: {  	_ =	shalt  }
0x7e: {  	_ =	shalt  }
0x7f: {  	_ =	shalt  }
0x80: {  	_ =	shalt  }
0x81: {  	_ =	shalt  }
0x82: {  	_ =	shalt  }
0x83: {  	_ =	shalt  }
0x84: {  	_ =	shalt  }
0x85: {  	_ =	shalt  }
0x86: {  	_ =	shalt  }
0x87: {  	_ =	shalt  }
.Lfunc_end0:
.L_simem_size_0:
called_computation_lowered:
.L_overlay_start_0:
0x88: {  	s2 =	sld [smem:$0x3FD9]  }
0x89: {  	s3 =	sld [smem:$0x3FFE];
	_ =	sdelay $0x1  }
0x8a: {  	s1 =	srdreg.scid  }
0x8b: {  	s0 =	sand.u32 $0x1, s1  }
0x8c: {  	s14 =	sshll.u32 s0, $0xA;
	s2 =	sadd.s32 s3, s2  }
0x8d: {  	s2 =	sadd.s32 s2, s14  }
0x8e: {  	[smem:$0x3FC0] =	sst s2  }
0x8f: {  	_ = 	snop  }
0x90: {  	s2 =	sld [smem:$0x3FD0];
	_ =	sdelay $0x2  }
0x91: {  	s15 =	simm.s32 $0xA;
	s4 =	simm.s32 $0x10  }
0x92: {  	[smem:s4], [sflag:s15] =	dma.local [hbm:s2], $0x1  }
0x93: {  	_ =	swait.eq [sflag:s15], $0x1  }
0x94: {  	[sflag:s15] =	ssyncset.done $0x0  }
0x95: {  	s16 =	sld [smem:$0x10];
	[sflag:s15] =	ssyncadd.s32 $0xFFFFFFFF  }
0x96: {  	s17 =	sld [smem:$0x11];
	(tm) =	ssettm $0x1  }
0x97: {  	s18 =	sld [smem:$0x3FFB];
	_ =	sdelay $0x3  }
0x98: {  	_ =	strace s18  }
0x99: {  	s4 =	sld [smem:$0x3FFC];
	_ =	sdelay $0x3  }
0x9a: {  	_ =	strace s4  }
0x9b: {  	s4 =	sld [smem:$0x3FFD];
	_ =	sdelay $0x3  }
0x9c: {  	_ =	strace s4  }
0x9d: {  	_ =	strace $0x8FFFFFFF  }
0x9e: {  	s19 =	sld [smem:$0x3FDB];
	_ =	sdelay $0x1  }
0x9f: {  	s5 =	simm.s32 $_scs_section_size  }
0xa0: {  	s6 =	simm.s32 $_size__tile_overlayer_lowered;
	s7 =	simm.s32 $_tile_overlayer_lowered  }
0xa1: {  	s22 =	simm.s32 $0x1BFF;
	s21 =	sshll.u32 s7, $0x1;
	s4 =	sadd.s32 s5, s19  }
0xa2: {  	s8 =	simm.s32 $0x0;
	s20 =	sshll.u32 s6, $0x1;
	s6 =	sadd.s32 s21, s4  }
0xa3: {  	[timem:s8], [sflag:s22] =	dma.local [hbm:s6], s20  }
0xa4: {  	_ =	swait.ge [sflag:s22], s20  }
0xa5: {  	s5 =	ssub.s32 $0x0, s20;
	[sflag:s22] =	ssyncset.done $0x0  }
0xa6: {  	[sflag:s22] =	ssyncadd.s32 s5;
	_ =	sdelay $0x1  }
0xa7: {  	s23 =	simm.s32 $0x1B8B  }
0xa8: {  	_ =	swait.ge [sflag:s23], $0x1  }
0xa9: {  	[sflag:s23] =	ssyncset.done $0x0  }
0xaa: {  	s25 =	simm.s32 $0x1B8E;
	s24 =	sld [smem:$0x3FFE];
	[sflag:s23] =	ssyncadd.s32 $0xFFFFFFFF  }
0xab: {  	s26 =	simm.s32 $execute0_lowered;
	[smem:$0x3FD2] =	sst s25  }
0xac: {  	s6 =	sshll.u32 s26, $0x1;
	_ =	strace $0x80000046;
	[dreg:$0x1] =	wrdreg $0xFFFFFFFF  }
0xad: {  	s28 =	simm.s32 $_size_execute0_lowered;
	s4 =	sadd.s32 s4, s6;
	[dreg:$0x0] =	wrdreg $0x0  }
0xae: {  	s6 =	sshll.u32 s28, $0x1;
	[dreg:$0x2] =	wrdreg s4  }
0xaf: {  	[dreg:$0x3] =	wrdreg s6  }
0xb0: {  	[dreg:$0x4] =	wrdreg $0xC0  }
0xb1: {  	_ =	task [dreg:s8], $0x5FFFF  }
0xb2: {  	[dreg:$0x1] =	wrdreg $0xFFFFFFFF  }
0xb3: {  	[dreg:$0x0] =	wrdreg $0x60  }
0xb4: {  	[dreg:$0x2] =	wrdreg s24  }
0xb5: {  	[dreg:$0x3] =	wrdreg s17  }
0xb6: {  	[dreg:$0x4] =	wrdreg s16  }
0xb7: {  	[dreg:$0x5] =	wrdreg $0x9  }
0xb8: {  	_ =	task.clear_ibuf [dreg:s8], $0x6FFFF;
	_ =	strace $0x90000046  }
0xb9: {  	s29 =	simm.s32 $0x9;
	_ =	strace $0x80000048  }
0xba: {  	_ =	swait.ge [sflag:s29], $0x1  }
0xbb: {  	[sflag:s29] =	ssyncadd.s32 $0xFFFFFFFF  }
0xbc: {  	_ =	strace $0x90000048  }
0xbd: {  	_ =	sfence  }
0xbe: {  	s30 =	sld [smem:$0x0];
	_ =	sdelay $0x2  }
0xbf: {  	s31 =	sshll.u32 s1, $0xD;
	s1 =	sshrl.u32 s1, $0x2  }
0xc0: {  	s3 =	sand.u32 $0x4000, s31;
	s1 =	sadd.s32 s1, s30  }
0xc1: {  	s0 =	sor.u32 s3, s0;
	s1 =	sshll.u32 s1, $0x11  }
0xc2: {  	s0 =	sor.u32 s1, s0  }
0xc3: {  	s0 =	sadd.s32 $0x8F2B, s0  }
0xc4: {  	[sflag:s0] =	ssyncadd.remote.s32 $0x1  }
0xc5: {  	_ =	sfence.sel $0xFFFF  }
0xc6: {  	[dreg:$0x0] =	wrdreg $0xFFFFFFFF;
	(pc) =	sbr.abs _section_cstart, $3  }
0xc7: {  	[dreg:$0x1] =	wrdreg $0xFFFFFFFF  }
0xc8: {  	_ =	task.clear_ibuf [dreg:s8], $0x2FFFF;
	_ =	strace $0x9FFFFFFF  }
0xc9: {  	(tm) =	ssettm $0x7FFFFFFF  }
tec
execute0_lowered:
.L_overlay_start_1:
0x0: {  	(tag) =	ssettag $0x1  }
0x1: {  	s0 =	rddreg [dreg:$0x0]  }
0x2: {  	s1 =	rddreg [dreg:$0x1]  }
0x3: {  	s2 =	srdreg.scid;
	s8 =	rddreg [dreg:$0x2]  }
0x4: {  	s5 =	stileid.u32;
	s9 =	simm.s32 $0x1;
	s14 =	simm.s32 $0x80  }
0x5: {  	s15 =	simm.s32 $0x1680;
	s16 =	simm.s32 $0x2680;
	s18 =	simm.s32 $0x3680  }
0x6: {  	s30 =	simm.s32 $0xB680;
	s28 =	simm.s32 $0x8680;
	s29 =	simm.s32 $0x5680  }
0x7: {  	s31 =	simm.s32 $0xA680;
	s17 =	simm.s32 $0xE680;
	s4 =	sand.u32 $0x1, s2  }
0x8: {  	s2 =	simm.s32 $0x0;
	s19 =	sand.u32 $0x1, s5;
	s3 =	sshll.u32 s4, $0x4  }
0x9: {  	[smem:$0x7FF] =	sst s2;
	p0 =	seq.s32 s19, $0x1;
	s22 =	ssub.s32 $0x2, s4  }
0xa: {  	s4 =	sadd.s32 $0x19CE00, s0;
	s19 =	simm.s32 $0xF680;
	s6 =	sor.u32 s5, s3  }
0xb: {  	_ =	strace $0x80000047;
	s3 =	sadd.s32 $0x2400, s0;
	s13 =	sshrl.u32 s22, $0x1  }
0xc: {  	s5 =	sadd.s32 $0x23CE00, s0;
	p1 =	seq.s32 s6, $0x0;
	s20 =	smul.u32 $0x50, s6  }
0xd: {  	s7 =	smul.u32 $0xA00, s6;
	s10 =	sshrl.u32 s6, $0x1;
	s23 =	ssub.s32 s22, s13  }
0xe: {  	s6 =	smul.u32 $0x1400, s6;
	s13 =	simm.s32 $0x3;
	p1 =	por !p1, !p0  }
0xf: {  	s22 =	simm.s32 $0x5680;
	p1 =	por !p1, !p1;
	s11 =	sadd.s32 s20, s0  }
0x10: {  	s12 =	sadd.s32 s7, s0;
	s7 =	simm.s32 $0x1;
	s0 =	smax.u32 s23, $0x1  }
0x11: {  	s20 =	simm.s32 $0x4680;
	s9 =	simm.s32 @!p1 $0x0;
	s24 =	sadd.s32 $0x1A00, s11  }
0x12: {  	s25 =	sadd.s32 $0x188E00, s12;
	[dreg:$0x8] =	wrdreg s0;
	s21 =	ssub.s32 s10, s9  }
0x13: {  	s11 =	simm.s32 $0x2;
	s10 =	simm.s32 $0x1400;
	s9 =	smul.u32 $0x2800, s21  }
0x14: {  	s0 =	simm.s32 $0x0;
	[dreg:$0x4] =	wrdreg s24;
	s10 =	simm.s32 @!p0 $0x0  }
0x15: {  	[dreg:$0x5] =	wrdreg s25;
	s25 =	simm.s32 $0x6680;
	s9 =	sadd.s32 s10, s9  }
0x16: {  	s24 =	simm.s32 $0x14680;
	s21 =	simm.s32 $0x10680;
	s9 =	sshrl.u32 s9, $0x3  }
0x17: {  	s10 =	simm.s32 $0x13680;
	s1 =	sadd.s32 s1, s9;
	s26 =	sadd.s32 s8, s9  }
0x18: {  	s8 =	simm.s32 $0x11680;
	s9 =	simm.s32 $0x12680;
	[dreg:$0x6] =	wrdreg s1  }
0x19: {  	[dreg:$0x7] =	wrdreg s26;
	s26 =	simm.s32 $0x4680;
	s1 =	simm.s32 $0xD680  }
.LBB2_1:
0x1a: {  	[dreg:$0x9] =	wrdreg s0  }
0x1b: {  	s12 =	rddreg [dreg:$0x4]  }
0x1c: {  	[tilespmem:s2], [sflag:$0x3] =	stream.linear.gather [hbm4b:s12+s2], $0x280, $0x38;
	[tilespmem:$0x15680] =	vst v63  }
0x1d: {  	_ =	swait.ge [sflag:s13], $0x280  }
0x1e: {  	[sflag:s13] =	ssyncset.done $0x0  }
0x1f: {  	[sflag:s13] =	ssyncadd.s32 $0xFFFFFD80  }
0x20: {  	[tilespmem:s15], [sflag:$0x1] =	stream.indirect.gather [hbm4b:s3+s14], $0x20, s2, s14, $0xb8;
	[tilespmem:$0x15680] =	vst v63  }
0x21: {  	_ = 	snop  }
0x22: {  	[tilespmem:s16], [sflag:$0x1] =	stream.indirect.gather [hbm4b:s3+s14], $0x20, s14, s14, $0xb8;
	[tilespmem:$0x15680] =	vst v63  }
0x23: {  	s0 =	simm.s32 $0x100  }
0x24: {  	[tilespmem:s18], [sflag:$0x1] =	stream.indirect.gather [hbm4b:s3+s14], $0x20, s0, s14, $0xb8;
	[tilespmem:$0x15680] =	vst v63  }
0x25: {  	s16 =	simm.s32 $0x180  }
0x26: {  	[tilespmem:s20], [sflag:$0x1] =	stream.indirect.gather [hbm4b:s3+s14], $0x20, s16, s14, $0xb8;
	[tilespmem:$0x15680] =	vst v63  }
0x27: {  	s18 =	simm.s32 $0x200  }
0x28: {  	[tilespmem:s22], [sflag:$0x1] =	stream.indirect.gather [hbm4b:s3+s14], $0x20, s18, s14, $0xb8;
	[tilespmem:$0x15680] =	vst v63  }
0x29: {  	_ =	swait.ge [sflag:s7], $0x1000  }
0x2a: {  	[sflag:s7] =	ssyncset.done $0x0  }
0x2b: {  	[sflag:s7] =	ssyncadd.s32 $0xFFFFF000  }
0x2c: {  	_ =	swait.ge [sflag:s7], $0x1000  }
0x2d: {  	[sflag:s7] =	ssyncset.done $0x0  }
0x2e: {  	[sflag:s7] =	ssyncadd.s32 $0xFFFFF000  }
0x2f: {  	_ =	swait.ge [sflag:s7], $0x1000  }
0x30: {  	[sflag:s7] =	ssyncset.done $0x0  }
0x31: {  	[sflag:s7] =	ssyncadd.s32 $0xFFFFF000  }
0x32: {  	_ =	swait.ge [sflag:s7], $0x1000  }
0x33: {  	[sflag:s7] =	ssyncset.done $0x0  }
0x34: {  	[sflag:s7] =	ssyncadd.s32 $0xFFFFF000  }
0x35: {  	_ =	swait.ge [sflag:s7], $0x1000  }
0x36: {  	[sflag:s7] =	ssyncset.done $0x0  }
0x37: {  	s20 =	rddreg [dreg:$0x5];
	[sflag:s7] =	ssyncadd.s32 $0xFFFFF000  }
0x38: {  	[hbm4b:s20+s2] =	stream.linear.scatter [tilespmem:s15], [sflag:$0x3], $0x5000, $0x38;
	[tilespmem:$0x15680] =	vst v63  }
0x39: {  	_ =	swait.ge [sflag:s13], $0x5000  }
0x3a: {  	[sflag:s13] =	ssyncset.done $0x0  }
0x3b: {  	s23 =	simm.s32 $0x280;
	s22 =	rddreg [dreg:$0x6];
	[sflag:s13] =	ssyncadd.s32 $0xFFFFB000  }
0x3c: {  	[tilespmem:s23], [sflag:$0x3] =	stream.linear.gather [hbm4b:s22+s2], $0x1400, $0x38;
	[tilespmem:$0x15680] =	vst v63  }
0x3d: {  	p0 =	por $0x1, $0x1;
	s12 =	simm.s32 $0x0;
	_ =	swait.ge [sflag:s13], $0x1400  }
0x3e: {  	s0 =	simm.s32 $0xC680;
	s18 =	simm.s32 $0x2680;
	[sflag:s13] =	ssyncset.done $0x0  }
0x3f: {  	s20 =	simm.s32 $0x7680;
	s22 =	simm.s32 $0x9680;
	[sflag:s13] =	ssyncadd.s32 $0xFFFFEC00  }
.LBB2_2:
0x40: {  	s23 =	sadd.s32 $0x280, s12  }
0x41: {  	[tilespmem:s15], [sflag:$0x1] =	stream.indirect.gather [hbm4b:s3+s14], $0x20, s23, s14, $0xb8;
	[tilespmem:$0x15680] =	vst v63  }
0x42: {  	s16 =	sadd.s32 $0x300, s12  }
0x43: {  	[tilespmem:s18], [sflag:$0x1] =	stream.indirect.gather [hbm4b:s3+s14], $0x20, s16, s14, $0xb8;
	[tilespmem:$0x15680] =	vst v63  }
0x44: {  	s23 =	sadd.s32 $0x380, s12;
	s16 =	simm.s32 $0x3680  }
0x45: {  	[tilespmem:s16], [sflag:$0x1] =	stream.indirect.gather [hbm4b:s3+s14], $0x20, s23, s14, $0xb8;
	[tilespmem:$0x15680] =	vst v63  }
0x46: {  	s16 =	sadd.s32 $0x400, s12  }
0x47: {  	[tilespmem:s26], [sflag:$0x1] =	stream.indirect.gather [hbm4b:s3+s14], $0x20, s16, s14, $0xb8;
	[tilespmem:$0x15680] =	vst v63  }
0x48: {  	s16 =	sadd.s32 $0x480, s12  }
0x49: {  	[tilespmem:s29], [sflag:$0x1] =	stream.indirect.gather [hbm4b:s3+s14], $0x20, s16, s14, $0xb8;
	[tilespmem:$0x15680] =	vst v63  }
0x4a: {  	s23 =	sadd.s32 $0x500, s12  }
0x4b: {  	[tilespmem:s25], [sflag:$0x1] =	stream.indirect.gather [hbm4b:s3+s14], $0x20, s23, s14, $0xb8;
	[tilespmem:$0x15680] =	vst v63  }
0x4c: {  	s16 =	sadd.s32 $0x580, s12  }
0x4d: {  	[tilespmem:s20], [sflag:$0x1] =	stream.indirect.gather [hbm4b:s3+s14], $0x20, s16, s14, $0xb8;
	[tilespmem:$0x15680] =	vst v63  }
0x4e: {  	s16 =	sadd.s32 $0x600, s12  }
0x4f: {  	[tilespmem:s28], [sflag:$0x1] =	stream.indirect.gather [hbm4b:s3+s14], $0x20, s16, s14, $0xb8;
	[tilespmem:$0x15680] =	vst v63  }
0x50: {  	s16 =	sadd.s32 $0x680, s12  }
0x51: {  	[tilespmem:s22], [sflag:$0x1] =	stream.indirect.gather [hbm4b:s3+s14], $0x20, s16, s14, $0xb8;
	[tilespmem:$0x15680] =	vst v63  }
0x52: {  	s16 =	sadd.s32 $0x700, s12  }
0x53: {  	[tilespmem:s31], [sflag:$0x1] =	stream.indirect.gather [hbm4b:s3+s14], $0x20, s16, s14, $0xb8;
	[tilespmem:$0x15680] =	vst v63  }
0x54: {  	s16 =	sadd.s32 $0x780, s12  }
0x55: {  	[tilespmem:s30], [sflag:$0x2] =	stream.indirect.gather [hbm4b:s3+s14], $0x20, s16, s14, $0xb8;
	[tilespmem:$0x15680] =	vst v63  }
0x56: {  	s16 =	sadd.s32 $0x800, s12  }
0x57: {  	[tilespmem:s0], [sflag:$0x2] =	stream.indirect.gather [hbm4b:s3+s14], $0x20, s16, s14, $0xb8;
	[tilespmem:$0x15680] =	vst v63  }
0x58: {  	s16 =	sadd.s32 $0x880, s12  }
0x59: {  	[tilespmem:s1], [sflag:$0x2] =	stream.indirect.gather [hbm4b:s3+s14], $0x20, s16, s14, $0xb8;
	[tilespmem:$0x15680] =	vst v63  }
0x5a: {  	s16 =	sadd.s32 $0x900, s12  }
0x5b: {  	[tilespmem:s17], [sflag:$0x2] =	stream.indirect.gather [hbm4b:s3+s14], $0x20, s16, s14, $0xb8;
	[tilespmem:$0x15680] =	vst v63  }
0x5c: {  	s16 =	sadd.s32 $0x980, s12  }
0x5d: {  	[tilespmem:s19], [sflag:$0x2] =	stream.indirect.gather [hbm4b:s3+s14], $0x20, s16, s14, $0xb8;
	[tilespmem:$0x15680] =	vst v63  }
0x5e: {  	s16 =	sadd.s32 $0xA00, s12  }
0x5f: {  	[tilespmem:s21], [sflag:$0x2] =	stream.indirect.gather [hbm4b:s3+s14], $0x20, s16, s14, $0xb8;
	[tilespmem:$0x15680] =	vst v63  }
0x60: {  	s16 =	sadd.s32 $0xA80, s12  }
0x61: {  	[tilespmem:s8], [sflag:$0x2] =	stream.indirect.gather [hbm4b:s3+s14], $0x20, s16, s14, $0xb8;
	[tilespmem:$0x15680] =	vst v63  }
0x62: {  	s16 =	sadd.s32 $0xB00, s12  }
0x63: {  	[tilespmem:s9], [sflag:$0x2] =	stream.indirect.gather [hbm4b:s3+s14], $0x20, s16, s14, $0xb8;
	[tilespmem:$0x15680] =	vst v63  }
0x64: {  	s16 =	sadd.s32 $0xB80, s12  }
0x65: {  	[tilespmem:s10], [sflag:$0x2] =	stream.indirect.gather [hbm4b:s3+s14], $0x20, s16, s14, $0xb8;
	[tilespmem:$0x15680] =	vst v63  }
0x66: {  	s16 =	sadd.s32 $0xC00, s12  }
0x67: {  	[tilespmem:s24], [sflag:$0x2] =	stream.indirect.gather [hbm4b:s3+s14], $0x20, s16, s14, $0xb8;
	[tilespmem:$0x15680] =	vst v63  }
0x68: {  	_ =	swait.ge [sflag:s7], $0x1000  }
0x69: {  	[sflag:s7] =	ssyncset.done $0x0  }
0x6a: {  	[sflag:s7] =	ssyncadd.s32 $0xFFFFF000  }
0x6b: {  	_ =	swait.ge [sflag:s7], $0x1000  }
0x6c: {  	[sflag:s7] =	ssyncset.done $0x0  }
0x6d: {  	[sflag:s7] =	ssyncadd.s32 $0xFFFFF000  }
0x6e: {  	_ =	swait.ge [sflag:s7], $0x1000  }
0x6f: {  	[sflag:s7] =	ssyncset.done $0x0  }
0x70: {  	[sflag:s7] =	ssyncadd.s32 $0xFFFFF000  }
0x71: {  	_ =	swait.ge [sflag:s7], $0x1000  }
0x72: {  	[sflag:s7] =	ssyncset.done $0x0  }
0x73: {  	[sflag:s7] =	ssyncadd.s32 $0xFFFFF000  }
0x74: {  	_ =	swait.ge [sflag:s7], $0x1000  }
0x75: {  	[sflag:s7] =	ssyncset.done $0x0  }
0x76: {  	[sflag:s7] =	ssyncadd.s32 $0xFFFFF000  }
0x77: {  	_ =	swait.ge [sflag:s7], $0x1000  }
0x78: {  	[sflag:s7] =	ssyncset.done $0x0  }
0x79: {  	[sflag:s7] =	ssyncadd.s32 $0xFFFFF000  }
0x7a: {  	_ =	swait.ge [sflag:s7], $0x1000  }
0x7b: {  	[sflag:s7] =	ssyncset.done $0x0  }
0x7c: {  	[sflag:s7] =	ssyncadd.s32 $0xFFFFF000  }
0x7d: {  	_ =	swait.ge [sflag:s7], $0x1000  }
0x7e: {  	[sflag:s7] =	ssyncset.done $0x0  }
0x7f: {  	[sflag:s7] =	ssyncadd.s32 $0xFFFFF000  }
0x80: {  	_ =	swait.ge [sflag:s7], $0x1000  }
0x81: {  	[sflag:s7] =	ssyncset.done $0x0  }
0x82: {  	[sflag:s7] =	ssyncadd.s32 $0xFFFFF000  }
0x83: {  	s16 =	sadd.s32 s6, s12;
	_ =	swait.ge [sflag:s7], $0x1000  }
0x84: {  	s12 =	sshll.u32 s16, $0x2;
	[sflag:s7] =	ssyncset.done $0x0  }
0x85: {  	s12 =	sadd.s32 s4, s12;
	[sflag:s7] =	ssyncadd.s32 $0xFFFFF000  }
0x86: {  	[hbm4b:s12+s2] =	stream.linear.scatter [tilespmem:s15], [sflag:$0x3], $0xA000, $0x38;
	[tilespmem:$0x15680] =	vst v63  }
0x87: {  	_ =	swait.ge [sflag:s13], $0xA000  }
0x88: {  	[sflag:s13] =	ssyncset.done $0x0  }
0x89: {  	[sflag:s13] =	ssyncadd.s32 $0xFFFF6000  }
0x8a: {  	_ =	swait.ge [sflag:s11], $0x1000  }
0x8b: {  	[sflag:s11] =	ssyncset.done $0x0  }
0x8c: {  	[sflag:s11] =	ssyncadd.s32 $0xFFFFF000  }
0x8d: {  	_ =	swait.ge [sflag:s11], $0x1000  }
0x8e: {  	[sflag:s11] =	ssyncset.done $0x0  }
0x8f: {  	[sflag:s11] =	ssyncadd.s32 $0xFFFFF000  }
0x90: {  	_ =	swait.ge [sflag:s11], $0x1000  }
0x91: {  	[sflag:s11] =	ssyncset.done $0x0  }
0x92: {  	[sflag:s11] =	ssyncadd.s32 $0xFFFFF000  }
0x93: {  	_ =	swait.ge [sflag:s11], $0x1000  }
0x94: {  	[sflag:s11] =	ssyncset.done $0x0  }
0x95: {  	[sflag:s11] =	ssyncadd.s32 $0xFFFFF000  }
0x96: {  	_ =	swait.ge [sflag:s11], $0x1000  }
0x97: {  	[sflag:s11] =	ssyncset.done $0x0  }
0x98: {  	[sflag:s11] =	ssyncadd.s32 $0xFFFFF000  }
0x99: {  	_ =	swait.ge [sflag:s11], $0x1000  }
0x9a: {  	[sflag:s11] =	ssyncset.done $0x0  }
0x9b: {  	[sflag:s11] =	ssyncadd.s32 $0xFFFFF000  }
0x9c: {  	_ =	swait.ge [sflag:s11], $0x1000  }
0x9d: {  	[sflag:s11] =	ssyncset.done $0x0  }
0x9e: {  	[sflag:s11] =	ssyncadd.s32 $0xFFFFF000  }
0x9f: {  	_ =	swait.ge [sflag:s11], $0x1000  }
0xa0: {  	[sflag:s11] =	ssyncset.done $0x0  }
0xa1: {  	[sflag:s11] =	ssyncadd.s32 $0xFFFFF000  }
0xa2: {  	_ =	swait.ge [sflag:s11], $0x1000  }
0xa3: {  	[sflag:s11] =	ssyncset.done $0x0  }
0xa4: {  	s23 =	sadd.s32 s6, s23;
	[sflag:s11] =	ssyncadd.s32 $0xFFFFF000  }
0xa5: {  	s12 =	sshll.u32 s23, $0x2;
	_ =	swait.ge [sflag:s11], $0x1000  }
0xa6: {  	p1 =	por p0, p0;
	s12 =	sand.u32 $0x1FFFFC00, s12;
	[sflag:s11] =	ssyncset.done $0x0  }
.Ltmp0:
0xa7: {  	s12 =	sadd.s32 s4, s12;
	[sflag:s11] =	ssyncadd.s32 $0xFFFFF000;
	(pc) =	sbr.rel @p1 .LBB2_2-.Ltmp0, $4  }
0xa8: {  	[hbm4b:s12+s2] =	stream.linear.scatter [tilespmem:s30], [sflag:$0x3], $0xA000, $0x38;
	[tilespmem:$0x15680] =	vst v63  }
0xa9: {  	_ =	swait.ge [sflag:s13], $0xA000  }
0xaa: {  	[sflag:s13] =	ssyncset.done $0x0  }
0xab: {  	p0 =	por $0x0, $0x0;
	s12 =	simm.s32 $0xA00;
	[sflag:s13] =	ssyncadd.s32 $0xFFFF6000  }
0xac: {  	s12 =	simm.s32 $0x0;
	s16 =	rddreg [dreg:$0x7];
	s23 =	simm.s32 $0x280  }
0xad: {  	[tilespmem:s23], [sflag:$0x3] =	stream.linear.gather [hbm4b:s16+s12], $0x1400, $0x38;
	[tilespmem:$0x15680] =	vst v63  }
0xae: {  	_ =	swait.ge [sflag:s13], $0x1400  }
0xaf: {  	[sflag:s13] =	ssyncset.done $0x0  }
0xb0: {  	p0 =	por $0x1, $0x1;
	[sflag:s13] =	ssyncadd.s32 $0xFFFFEC00  }
.LBB2_4:
0xb1: {  	s16 =	sadd.s32 $0x280, s12  }
0xb2: {  	[tilespmem:s15], [sflag:$0x1] =	stream.indirect.gather [hbm4b:s3+s14], $0x20, s16, s14, $0xb8;
	[tilespmem:$0x15680] =	vst v63  }
0xb3: {  	s23 =	sadd.s32 $0x300, s12  }
0xb4: {  	[tilespmem:s18], [sflag:$0x1] =	stream.indirect.gather [hbm4b:s3+s14], $0x20, s23, s14, $0xb8;
	[tilespmem:$0x15680] =	vst v63  }
0xb5: {  	s16 =	sadd.s32 $0x380, s12;
	s23 =	simm.s32 $0x3680  }
0xb6: {  	[tilespmem:s23], [sflag:$0x1] =	stream.indirect.gather [hbm4b:s3+s14], $0x20, s16, s14, $0xb8;
	[tilespmem:$0x15680] =	vst v63  }
0xb7: {  	s23 =	sadd.s32 $0x400, s12  }
0xb8: {  	[tilespmem:s26], [sflag:$0x1] =	stream.indirect.gather [hbm4b:s3+s14], $0x20, s23, s14, $0xb8;
	[tilespmem:$0x15680] =	vst v63  }
0xb9: {  	s23 =	sadd.s32 $0x480, s12  }
0xba: {  	[tilespmem:s29], [sflag:$0x1] =	stream.indirect.gather [hbm4b:s3+s14], $0x20, s23, s14, $0xb8;
	[tilespmem:$0x15680] =	vst v63  }
0xbb: {  	s23 =	sadd.s32 $0x500, s12  }
0xbc: {  	[tilespmem:s25], [sflag:$0x1] =	stream.indirect.gather [hbm4b:s3+s14], $0x20, s23, s14, $0xb8;
	[tilespmem:$0x15680] =	vst v63  }
0xbd: {  	s16 =	sadd.s32 $0x580, s12  }
0xbe: {  	[tilespmem:s20], [sflag:$0x1] =	stream.indirect.gather [hbm4b:s3+s14], $0x20, s16, s14, $0xb8;
	[tilespmem:$0x15680] =	vst v63  }
0xbf: {  	s16 =	sadd.s32 $0x600, s12  }
0xc0: {  	[tilespmem:s28], [sflag:$0x1] =	stream.indirect.gather [hbm4b:s3+s14], $0x20, s16, s14, $0xb8;
	[tilespmem:$0x15680] =	vst v63  }
0xc1: {  	s16 =	sadd.s32 $0x680, s12  }
0xc2: {  	[tilespmem:s22], [sflag:$0x1] =	stream.indirect.gather [hbm4b:s3+s14], $0x20, s16, s14, $0xb8;
	[tilespmem:$0x15680] =	vst v63  }
0xc3: {  	s16 =	sadd.s32 $0x700, s12  }
0xc4: {  	[tilespmem:s31], [sflag:$0x1] =	stream.indirect.gather [hbm4b:s3+s14], $0x20, s16, s14, $0xb8;
	[tilespmem:$0x15680] =	vst v63  }
0xc5: {  	s16 =	sadd.s32 $0x780, s12  }
0xc6: {  	[tilespmem:s30], [sflag:$0x2] =	stream.indirect.gather [hbm4b:s3+s14], $0x20, s16, s14, $0xb8;
	[tilespmem:$0x15680] =	vst v63  }
0xc7: {  	s16 =	sadd.s32 $0x800, s12  }
0xc8: {  	[tilespmem:s0], [sflag:$0x2] =	stream.indirect.gather [hbm4b:s3+s14], $0x20, s16, s14, $0xb8;
	[tilespmem:$0x15680] =	vst v63  }
0xc9: {  	s16 =	sadd.s32 $0x880, s12  }
0xca: {  	[tilespmem:s1], [sflag:$0x2] =	stream.indirect.gather [hbm4b:s3+s14], $0x20, s16, s14, $0xb8;
	[tilespmem:$0x15680] =	vst v63  }
0xcb: {  	s16 =	sadd.s32 $0x900, s12  }
0xcc: {  	[tilespmem:s17], [sflag:$0x2] =	stream.indirect.gather [hbm4b:s3+s14], $0x20, s16, s14, $0xb8;
	[tilespmem:$0x15680] =	vst v63  }
0xcd: {  	s16 =	sadd.s32 $0x980, s12  }
0xce: {  	[tilespmem:s19], [sflag:$0x2] =	stream.indirect.gather [hbm4b:s3+s14], $0x20, s16, s14, $0xb8;
	[tilespmem:$0x15680] =	vst v63  }
0xcf: {  	s16 =	sadd.s32 $0xA00, s12  }
0xd0: {  	[tilespmem:s21], [sflag:$0x2] =	stream.indirect.gather [hbm4b:s3+s14], $0x20, s16, s14, $0xb8;
	[tilespmem:$0x15680] =	vst v63  }
0xd1: {  	s16 =	sadd.s32 $0xA80, s12  }
0xd2: {  	[tilespmem:s8], [sflag:$0x2] =	stream.indirect.gather [hbm4b:s3+s14], $0x20, s16, s14, $0xb8;
	[tilespmem:$0x15680] =	vst v63  }
0xd3: {  	s16 =	sadd.s32 $0xB00, s12  }
0xd4: {  	[tilespmem:s9], [sflag:$0x2] =	stream.indirect.gather [hbm4b:s3+s14], $0x20, s16, s14, $0xb8;
	[tilespmem:$0x15680] =	vst v63  }
0xd5: {  	s16 =	sadd.s32 $0xB80, s12  }
0xd6: {  	[tilespmem:s10], [sflag:$0x2] =	stream.indirect.gather [hbm4b:s3+s14], $0x20, s16, s14, $0xb8;
	[tilespmem:$0x15680] =	vst v63  }
0xd7: {  	s16 =	sadd.s32 $0xC00, s12  }
0xd8: {  	[tilespmem:s24], [sflag:$0x2] =	stream.indirect.gather [hbm4b:s3+s14], $0x20, s16, s14, $0xb8;
	[tilespmem:$0x15680] =	vst v63  }
0xd9: {  	_ =	swait.ge [sflag:s7], $0x1000  }
0xda: {  	[sflag:s7] =	ssyncset.done $0x0  }
0xdb: {  	[sflag:s7] =	ssyncadd.s32 $0xFFFFF000  }
0xdc: {  	_ =	swait.ge [sflag:s7], $0x1000  }
0xdd: {  	[sflag:s7] =	ssyncset.done $0x0  }
0xde: {  	[sflag:s7] =	ssyncadd.s32 $0xFFFFF000  }
0xdf: {  	_ =	swait.ge [sflag:s7], $0x1000  }
0xe0: {  	[sflag:s7] =	ssyncset.done $0x0  }
0xe1: {  	[sflag:s7] =	ssyncadd.s32 $0xFFFFF000  }
0xe2: {  	_ =	swait.ge [sflag:s7], $0x1000  }
0xe3: {  	[sflag:s7] =	ssyncset.done $0x0  }
0xe4: {  	[sflag:s7] =	ssyncadd.s32 $0xFFFFF000  }
0xe5: {  	_ =	swait.ge [sflag:s7], $0x1000  }
0xe6: {  	[sflag:s7] =	ssyncset.done $0x0  }
0xe7: {  	[sflag:s7] =	ssyncadd.s32 $0xFFFFF000  }
0xe8: {  	_ =	swait.ge [sflag:s7], $0x1000  }
0xe9: {  	[sflag:s7] =	ssyncset.done $0x0  }
0xea: {  	[sflag:s7] =	ssyncadd.s32 $0xFFFFF000  }
0xeb: {  	_ =	swait.ge [sflag:s7], $0x1000  }
0xec: {  	[sflag:s7] =	ssyncset.done $0x0  }
0xed: {  	[sflag:s7] =	ssyncadd.s32 $0xFFFFF000  }
0xee: {  	_ =	swait.ge [sflag:s7], $0x1000  }
0xef: {  	[sflag:s7] =	ssyncset.done $0x0  }
0xf0: {  	[sflag:s7] =	ssyncadd.s32 $0xFFFFF000  }
0xf1: {  	_ =	swait.ge [sflag:s7], $0x1000  }
0xf2: {  	[sflag:s7] =	ssyncset.done $0x0  }
0xf3: {  	[sflag:s7] =	ssyncadd.s32 $0xFFFFF000  }
0xf4: {  	s16 =	sadd.s32 s6, s12;
	_ =	swait.ge [sflag:s7], $0x1000  }
0xf5: {  	s12 =	sshll.u32 s16, $0x2;
	[sflag:s7] =	ssyncset.done $0x0  }
0xf6: {  	s12 =	sadd.s32 s5, s12;
	[sflag:s7] =	ssyncadd.s32 $0xFFFFF000  }
0xf7: {  	[hbm4b:s12+s2] =	stream.linear.scatter [tilespmem:s15], [sflag:$0x3], $0xA000, $0x38;
	[tilespmem:$0x15680] =	vst v63  }
0xf8: {  	_ =	swait.ge [sflag:s13], $0xA000  }
0xf9: {  	[sflag:s13] =	ssyncset.done $0x0  }
0xfa: {  	[sflag:s13] =	ssyncadd.s32 $0xFFFF6000  }
0xfb: {  	_ =	swait.ge [sflag:s11], $0x1000  }
0xfc: {  	[sflag:s11] =	ssyncset.done $0x0  }
0xfd: {  	[sflag:s11] =	ssyncadd.s32 $0xFFFFF000  }
0xfe: {  	_ =	swait.ge [sflag:s11], $0x1000  }
0xff: {  	[sflag:s11] =	ssyncset.done $0x0  }
0x100: {  	[sflag:s11] =	ssyncadd.s32 $0xFFFFF000  }
0x101: {  	_ =	swait.ge [sflag:s11], $0x1000  }
0x102: {  	[sflag:s11] =	ssyncset.done $0x0  }
0x103: {  	[sflag:s11] =	ssyncadd.s32 $0xFFFFF000  }
0x104: {  	_ =	swait.ge [sflag:s11], $0x1000  }
0x105: {  	[sflag:s11] =	ssyncset.done $0x0  }
0x106: {  	[sflag:s11] =	ssyncadd.s32 $0xFFFFF000  }
0x107: {  	_ =	swait.ge [sflag:s11], $0x1000  }
0x108: {  	[sflag:s11] =	ssyncset.done $0x0  }
0x109: {  	[sflag:s11] =	ssyncadd.s32 $0xFFFFF000  }
0x10a: {  	_ =	swait.ge [sflag:s11], $0x1000  }
0x10b: {  	[sflag:s11] =	ssyncset.done $0x0  }
0x10c: {  	[sflag:s11] =	ssyncadd.s32 $0xFFFFF000  }
0x10d: {  	_ =	swait.ge [sflag:s11], $0x1000  }
0x10e: {  	[sflag:s11] =	ssyncset.done $0x0  }
0x10f: {  	[sflag:s11] =	ssyncadd.s32 $0xFFFFF000  }
0x110: {  	_ =	swait.ge [sflag:s11], $0x1000  }
0x111: {  	[sflag:s11] =	ssyncset.done $0x0  }
0x112: {  	[sflag:s11] =	ssyncadd.s32 $0xFFFFF000  }
0x113: {  	_ =	swait.ge [sflag:s11], $0x1000  }
0x114: {  	[sflag:s11] =	ssyncset.done $0x0  }
0x115: {  	s23 =	sadd.s32 s6, s23;
	[sflag:s11] =	ssyncadd.s32 $0xFFFFF000  }
0x116: {  	s12 =	sshll.u32 s23, $0x2;
	_ =	swait.ge [sflag:s11], $0x1000  }
0x117: {  	p1 =	por p0, p0;
	s12 =	sand.u32 $0x1FFFFC00, s12;
	[sflag:s11] =	ssyncset.done $0x0  }
.Ltmp1:
0x118: {  	s12 =	sadd.s32 s5, s12;
	[sflag:s11] =	ssyncadd.s32 $0xFFFFF000;
	(pc) =	sbr.rel @p1 .LBB2_4-.Ltmp1, $4  }
0x119: {  	[hbm4b:s12+s2] =	stream.linear.scatter [tilespmem:s30], [sflag:$0x3], $0xA000, $0x38;
	[tilespmem:$0x15680] =	vst v63  }
0x11a: {  	_ =	swait.ge [sflag:s13], $0xA000  }
0x11b: {  	[sflag:s13] =	ssyncset.done $0x0  }
0x11c: {  	p0 =	por $0x0, $0x0;
	s12 =	simm.s32 $0xA00;
	[sflag:s13] =	ssyncadd.s32 $0xFFFF6000  }
0x11d: {  	s0 =	rddreg [dreg:$0x9]  }
0x11e: {  	s12 =	rddreg [dreg:$0x8];
	s0 =	sadd.s32 $0x1, s0  }
0x11f: {  	p0 =	sne.s32 s0, s12  }
.Ltmp2:
0x120: {  	_ = 	snop;
	(pc) =	sbr.rel @p0 .LBB2_1-.Ltmp2, $3  }
0x121: {  	_ =	sdelay $0x1  }
0x122: {  	s16 =	simm.s32 $0x2680  }
0x123: {  	s18 =	simm.s32 $0x3680;
	s20 =	simm.s32 $0x4680;
	s22 =	simm.s32 $0x5680  }
0x124: {  	_ =	sfence.sel $0x180000  }
0x125: {  	[bflag:$0x0] =	sbarrier.arrive $0xFFFF  }
0x126: {  	_ =	strace $0x90000047  }
0x127: {  	s0 =	stileid.u32;
	[bflag:$0x2] =	sbarrier.arrive $0xFFFF  }
0x128: {  	p0 =	sne.s32 s0, $0x0;
	s0 =	rddreg [dreg:$0x3]  }
0x129: {  	s0 =	sadd.s32 @!p0 $0x100000, s0  }
0x12a: {  	[sflag:s0] =	ssyncadd.tile.s32 @!p0 $0x1;
	_ =	shalt  }
.Lfunc_end2:
_tile_overlayer_lowered:
.L_overlay_start_2:
0x12b: {  	(tag) =	ssettag $0x2  }
0x12c: {  	s0 =	rddreg [dreg:$0x0];
	s2 =	stileid.u32  }
0x12d: {  	s1 =	rddreg [dreg:$0x1];
	p0 =	sne.s32 s2, $0x0  }
0x12e: {  	s3 =	rddreg [dreg:$0x2];
	[bflag:$0x3] =	sbarrier.arrive $0xFFFF;
	s2 =	simm.s32 @!p0 $0x1C03  }
0x12f: {  	[timem:s3], [sflag:s2] =	dma.local @!p0 [hbm:s0], s1  }
0x130: {  	s0 =	simm.s32 @!p0 $0x3  }
0x131: {  	_ =	swait.ge @!p0 [sflag:s0], s1  }
0x132: {  	s1 =	ssub.s32 @!p0 $0x0, s1;
	[sflag:s0] =	ssyncset.done @!p0 $0x0  }
0x133: {  	[sflag:s0] =	ssyncadd.s32 @!p0 s1  }
0x134: {  	[bflag:$0x3] =	sbarrier.arrive $0xFFFF  }
0x135: {  	_ =	shalt  }

</sc_bundles>
